<compile_context>
chip_gen: v7x
topology: tpu7x:2x2x1
jax: 0.10.2.dev20260603
libtpu: 0.0.44.dev20260713+nightly
codegen_flags: <defaults>
</compile_context>

<pallas_src>
import functools

import jax
import jax.numpy as jnp
from jax import lax
from jax.experimental import pallas as pl
from jax.experimental.pallas import tpu as pltpu
from jax.experimental.pallas import tpu_sc as plsc

_N = 200000
_CIN = 32
_COUT = 64
_CTX = 256

_R = 200
_SUB = 4
_STEP = _R * _SUB
_NB = _N // _STEP
_SROWS = 208
_OUT_PAD = _N + _SROWS

_NC = 2
_NS = 16
_NW = _NC * _NS
_CH = 128
_NCH = 49
_BPW = _CH * _NCH
_PADN = _BPW * _NW


def _gather_sorted(features, idxp):
    mesh = plsc.VectorSubcoreMesh(core_axis_name="c", subcore_axis_name="s")

    @functools.partial(
        pl.kernel,
        mesh=mesh,
        compiler_params=pltpu.CompilerParams(use_tc_tiling_on_sc=False),
        out_type=jax.ShapeDtypeStruct((_PADN, _CIN), jnp.float32),
        scratch_types=[
            pltpu.VMEM((_CH,), jnp.int32),
            pltpu.VMEM((_CH, _CIN), jnp.float32),
            pltpu.SemaphoreType.DMA,
        ],
    )
    def gk(tab_hbm, idx_hbm, out_hbm, idx_v, rows_v, sem):
        wid = lax.axis_index("s") * _NC + lax.axis_index("c")
        base = wid * _BPW

        def body(c, carry):
            off = base + c * _CH
            pltpu.sync_copy(idx_hbm.at[pl.ds(off, _CH)], idx_v)
            pltpu.async_copy(tab_hbm.at[idx_v], rows_v, sem).wait()
            pltpu.sync_copy(rows_v, out_hbm.at[pl.ds(off, _CH)])
            return carry

        lax.fori_loop(0, _NCH, body, 0)

    return gk(features, idxp)


def _conv_body(fs_ref, kv_ref, ks_ref, kc_ref, w_ref, g_ref, be_ref, c_ref,
               wm_ref, bm_ref, triu_ref, lsub_ref, elast_ref, trep_ref,
               tapf_ref, ones_ref,
               out_ref, a1_ref, a2_ref, m_ref,
               s_refs, carry_ref, sum_ref, sq_ref, sm, sem):
    b = pl.program_id(0)
    nb = pl.num_programs(0)

    @pl.when(b == 0)
    def _init():
        sm[0] = ks_ref[0, 0, 0] >> 3
        sm[1] = 0
        carry_ref[...] = jnp.zeros_like(carry_ref)
        sum_ref[...] = jnp.zeros_like(sum_ref)
        sq_ref[...] = jnp.zeros_like(sq_ref)

    @pl.when(b > 0)
    def _drain():
        for j in range(_SUB):
            pltpu.make_async_copy(s_refs.at[j], out_ref.at[pl.ds(0, _SROWS)],
                                  sem.at[j]).wait()

    krow = kv_ref[0] >> 3
    lane = lax.broadcasted_iota(jnp.int32, (1, _R), 1)
    rowf = lax.broadcasted_iota(jnp.int32, (1, _SROWS), 1).astype(jnp.float32)
    triu = triu_ref[...]
    lsub = lsub_ref[...]
    elast = elast_ref[...]
    trep = trep_ref[...]
    tapf = tapf_ref[...]
    ones8c = ones_ref[...]

    base = sm[1]
    carry = carry_ref[...]
    ssum = sum_ref[...]
    ssq = sq_ref[...]

    subs = []
    for j in range(_SUB):
        keys = krow[:, j * _R:(j + 1) * _R]
        if j == 0:
            prev = sm[0]
        else:
            prev = ks_ref[0, 0, j * _R - 1] >> 3
        shifted = jnp.where(lane == 0, prev, pltpu.roll(keys, 1, axis=1))
        f = (keys != shifted).astype(jnp.float32)
        local = lax.dot(f, triu, preferred_element_type=jnp.float32)
        lf_row = lax.dot(local, elast, preferred_element_type=jnp.float32)

        fblk = fs_ref[j * _R:(j + 1) * _R, :].astype(jnp.bfloat16)
        kcf = kc_ref[j * _R:(j + 1) * _R, :]
        frep = lax.dot(fblk, trep, preferred_element_type=jnp.float32)
        kcb = lax.dot(kcf, ones8c, preferred_element_type=jnp.float32)
        fsel = jnp.where(kcb == tapf, frep, 0.0).astype(jnp.bfloat16)
        p = lax.dot(fsel, w_ref[...],
                    preferred_element_type=jnp.float32).astype(jnp.bfloat16)

        a = (lsub == local).astype(jnp.bfloat16)
        s = lax.dot(a, p, preferred_element_type=jnp.float32)

        if j == _SUB - 1:
            extra = jnp.where(b == nb - 1, 1.0, 0.0)
        else:
            extra = 0.0
        lim_row = lf_row + extra
        cm = (rowf < lim_row).astype(jnp.float32)
        sum_n = lax.dot(cm, s, preferred_element_type=jnp.float32)
        sq_n = lax.dot(cm, s * s, preferred_element_type=jnp.float32)
        cl = lax.dot((rowf == lf_row).astype(jnp.float32), s,
                     preferred_element_type=jnp.float32)
        r0 = s[0:1, :]
        s_refs[j] = s
        lf_s = local[0, _R - 1]
        subs.append((lf_s, extra, sum_n, sq_n, cl, r0))

    for j in range(_SUB):
        lf_s, extra, sum_n, sq_n, cl, r0 = subs[j]
        c0 = (lf_s + extra > 0.0).astype(jnp.float32)
        l0 = (lf_s == 0.0).astype(jnp.float32)
        s_refs[j, 0:1, :] = r0 + carry
        ssum = ssum + sum_n + c0 * carry
        ssq = ssq + sq_n + c0 * (2.0 * r0 * carry + carry * carry)
        carry = cl + l0 * carry
        pltpu.make_async_copy(s_refs.at[j], out_ref.at[pl.ds(base, _SROWS)],
                              sem.at[j]).start()
        base = base + lf_s.astype(jnp.int32)

    prev = ks_ref[0, 0, _STEP - 1] >> 3

    sum_ref[...] = ssum
    sq_ref[...] = ssq
    carry_ref[...] = carry
    sm[1] = base
    sm[0] = prev

    @pl.when(b == nb - 1)
    def _fin():
        for j in range(_SUB):
            pltpu.make_async_copy(s_refs.at[j], out_ref.at[pl.ds(0, _SROWS)],
                                  sem.at[j]).wait()
        m_i = base + 1
        m_ref[0, 0] = m_i
        mf = m_i.astype(jnp.float32)
        mean = sum_ref[...] / mf
        var = jnp.maximum(sq_ref[...] / mf - mean * mean, 0.0)
        inv = lax.rsqrt(var + 1e-5)
        mod = lax.dot(c_ref[...], wm_ref[...],
                      preferred_element_type=jnp.float32) + bm_ref[...]
        shift = mod[:, :_COUT]
        scale = mod[:, _COUT:]
        a1_ref[...] = inv * g_ref[...] * (1.0 + scale)
        a2_ref[...] = (be_ref[...] - mean * inv * g_ref[...]) * (1.0 + scale) \
            + shift


def _conv_tc(fs, keys3, kidx2, w, gamma2, beta2, ctx2, wm, bm2):
    return pl.pallas_call(
        _conv_body,
        grid=(_NB,),
        in_specs=[
            pl.BlockSpec((_STEP, _CIN), lambda b: (b, 0)),
            pl.BlockSpec((1, 1, _STEP), lambda b: (b, 0, 0)),
            pl.BlockSpec((1, 1, _STEP), lambda b: (b, 0, 0),
                         memory_space=pltpu.SMEM),
            pl.BlockSpec((_STEP, 1), lambda b: (b, 0)),
            pl.BlockSpec((8 * _CIN, _COUT), lambda b: (0, 0)),
            pl.BlockSpec((1, _COUT), lambda b: (0, 0)),
            pl.BlockSpec((1, _COUT), lambda b: (0, 0)),
            pl.BlockSpec((1, _CTX), lambda b: (0, 0)),
            pl.BlockSpec((_CTX, 2 * _COUT), lambda b: (0, 0)),
            pl.BlockSpec((1, 2 * _COUT), lambda b: (0, 0)),
            pl.BlockSpec((_R, _R), lambda b: (0, 0)),
            pl.BlockSpec((_SROWS, _R), lambda b: (0, 0)),
            pl.BlockSpec((_R, _SROWS), lambda b: (0, 0)),
            pl.BlockSpec((_CIN, 8 * _CIN), lambda b: (0, 0)),
            pl.BlockSpec((1, 8 * _CIN), lambda b: (0, 0)),
            pl.BlockSpec((1, 8 * _CIN), lambda b: (0, 0)),
        ],
        out_specs=[
            pl.BlockSpec(memory_space=pl.ANY),
            pl.BlockSpec((1, _COUT), lambda b: (0, 0)),
            pl.BlockSpec((1, _COUT), lambda b: (0, 0)),
            pl.BlockSpec(memory_space=pltpu.SMEM),
        ],
        out_shape=[
            jax.ShapeDtypeStruct((_OUT_PAD, _COUT), jnp.float32),
            jax.ShapeDtypeStruct((1, _COUT), jnp.float32),
            jax.ShapeDtypeStruct((1, _COUT), jnp.float32),
            jax.ShapeDtypeStruct((1, 1), jnp.int32),
        ],
        scratch_shapes=[
            pltpu.VMEM((_SUB, _SROWS, _COUT), jnp.float32),
            pltpu.VMEM((1, _COUT), jnp.float32),
            pltpu.VMEM((1, _COUT), jnp.float32),
            pltpu.VMEM((1, _COUT), jnp.float32),
            pltpu.SMEM((2,), jnp.int32),
            pltpu.SemaphoreType.DMA((_SUB,)),
        ],
    )(fs, keys3, keys3, kidx2, w, gamma2, beta2, ctx2, wm, bm2,
      _triu_c(), _lsub_c(), _elast_c(), _trep_c(), _tapf_c(), _ones_c())


def _triu_c():
    return (lax.broadcasted_iota(jnp.int32, (_R, _R), 0)
            <= lax.broadcasted_iota(jnp.int32, (_R, _R), 1)) \
        .astype(jnp.float32)


def _lsub_c():
    return lax.broadcasted_iota(
        jnp.int32, (_SROWS, _R), 0).astype(jnp.float32)


def _elast_c():
    return (lax.broadcasted_iota(jnp.int32, (_R, _SROWS), 0)
            == (_R - 1)).astype(jnp.float32)


def _trep_c():
    return (lax.broadcasted_iota(jnp.int32, (_CIN, 8 * _CIN), 0)
            == (lax.broadcasted_iota(jnp.int32, (_CIN, 8 * _CIN), 1)
                & (_CIN - 1))).astype(jnp.bfloat16)


def _tapf_c():
    return (lax.broadcasted_iota(jnp.int32, (1, 8 * _CIN), 1)
            // _CIN).astype(jnp.bfloat16)


def _ones_c():
    return jnp.ones((1, 8 * _CIN), jnp.bfloat16)


_RN = 4000
_NBN = _N // _RN


def _norm_body(o_ref, a1_ref, a2_ref, m_ref, act_ref):
    b = pl.program_id(0)
    m_i = m_ref[0, 0]
    a = o_ref[...] * a1_ref[...] + a2_ref[...]
    rows = lax.broadcasted_iota(jnp.int32, (_RN, 1), 0) + b * _RN
    act_ref[...] = jnp.where(rows < m_i, jnp.maximum(a, 0.0), 0.0)


def _norm_tc(outp, a1, a2, m):
    return pl.pallas_call(
        _norm_body,
        grid=(_NBN,),
        in_specs=[
            pl.BlockSpec((_RN, _COUT), lambda b: (b, 0)),
            pl.BlockSpec((1, _COUT), lambda b: (0, 0)),
            pl.BlockSpec((1, _COUT), lambda b: (0, 0)),
            pl.BlockSpec(memory_space=pltpu.SMEM),
        ],
        out_specs=pl.BlockSpec((_RN, _COUT), lambda b: (b, 0)),
        out_shape=jax.ShapeDtypeStruct((_N, _COUT), jnp.float32),
    )(outp, a1, a2, m)


def kernel(features, coords, W, gamma, beta, context, Wm, bm):
    cb = coords[:, 0]
    cz = coords[:, 1]
    cy = coords[:, 2]
    cx = coords[:, 3]
    key = ((cb * 256 + cz // 2) * 256 + cy // 2) * 32 + cx // 2
    kidx = (cz % 2) * 4 + (cy % 2) * 2 + (cx % 2)
    kb = key * 8 + kidx
    iot = jnp.arange(_N, dtype=jnp.int32)
    kb_s, perm = lax.sort((kb, iot), num_keys=1)
    padidx = jnp.arange(_PADN - _N, dtype=jnp.int32)
    permp = jnp.concatenate([perm, padidx])
    fs = _gather_sorted(features, permp)
    keys3 = kb_s.reshape(_NB, 1, _STEP)
    kidx2 = (kb_s & 7).astype(jnp.bfloat16).reshape(_N, 1)
    outp, a1, a2, m = _conv_tc(fs, keys3, kidx2,
                               W.reshape(8 * _CIN, _COUT).astype(jnp.bfloat16),
                               gamma.reshape(1, _COUT), beta.reshape(1, _COUT),
                               context.reshape(1, _CTX), Wm,
                               bm.reshape(1, 2 * _COUT))
    return _norm_tc(outp, a1, a2, m)

# --- scband reference (transcript-rebuilt; emitter-appended) ---
"""Pipeline reference for scband-spconv-down-49924699849228 (READ-ONLY COPY).

The authoritative reference and input builder live on the scoring server;
editing this copy changes nothing except your own understanding.
"""

import jax, jax.numpy as jnp
import numpy as np

N = 200000
C_IN = 32
C_OUT = 64
CTX = 256
BATCH = 4
GRID = (512, 512, 64)  # input spatial shape (z, y, x)


def setup_inputs(seed: int = 0) -> dict:
    key = jax.random.key(seed)
    ks = jax.random.split(key, 10)
    features = jax.random.normal(ks[0], (N, C_IN), dtype=jnp.float32)
    b = jax.random.randint(ks[1], (N, 1), 0, BATCH)
    z = jax.random.randint(ks[2], (N, 1), 0, GRID[0])
    y = jax.random.randint(ks[3], (N, 1), 0, GRID[1])
    x = jax.random.randint(ks[4], (N, 1), 0, GRID[2])
    coords = jnp.concatenate([b, z, y, x], axis=1).astype(jnp.int32)
    # SparseConv3d weight: one [C_in, C_out] matrix per kernel offset (2*2*2 = 8)
    W = jax.random.normal(ks[5], (8, C_IN, C_OUT), dtype=jnp.float32) * (1.0 / np.sqrt(8.0 * C_IN))
    gamma = jnp.ones((C_OUT,), jnp.float32)
    beta = jnp.zeros((C_OUT,), jnp.float32)
    # conditional/context norm (PDNorm-style): context embedding -> (shift, scale)
    context = jax.random.normal(ks[6], (CTX,), jnp.float32)
    Wm = jax.random.normal(ks[7], (CTX, 2 * C_OUT), jnp.float32) * (1.0 / np.sqrt(CTX))
    bm = jnp.zeros((2 * C_OUT,), jnp.float32)
    return {"features": features, "coords": coords, "W": W, "gamma": gamma,
            "beta": beta, "context": context, "Wm": Wm, "bm": bm}


def reference(features, coords, W, gamma, beta, context, Wm, bm):
    # --- spconv.SparseConv3d(kernel_size=2, stride=2): non-overlapping windows ---
    # each input voxel contributes to exactly one output voxel; which of the 8
    # kernel taps applies is determined by (coord mod 2).
    Zs, Ys, Xs = GRID[0] // 2, GRID[1] // 2, GRID[2] // 2
    b = coords[:, 0].astype(jnp.int64)
    z = (coords[:, 1] // 2).astype(jnp.int64)
    y = (coords[:, 2] // 2).astype(jnp.int64)
    x = (coords[:, 3] // 2).astype(jnp.int64)
    kidx = (coords[:, 1] % 2) * 4 + (coords[:, 2] % 2) * 2 + (coords[:, 3] % 2)
    keys = ((b * Zs + z) * Ys + y) * Xs + x
    uniq, inv = jnp.unique(keys, return_inverse=True, size=N, fill_value=-1)
    inv = inv.reshape(-1)
    # per-point matmul with the kernel tap selected by kidx
    contrib = jnp.zeros((N, C_OUT), jnp.float32)
    for k in range(8):
        contrib = contrib + jnp.where((kidx == k)[:, None], features @ W[k], 0.0)
    # scatter-add into output voxels
    out = jnp.zeros((N, C_OUT), jnp.float32).at[inv].add(contrib)
    valid = (uniq >= 0).astype(jnp.float32)[:, None]
    M = jnp.maximum(valid.sum(), 1.0)
    # --- conditional batch norm over active output voxels (training-mode stats) ---
    mean = (out * valid).sum(axis=0) / M
    var = (((out - mean) ** 2) * valid).sum(axis=0) / M
    normed = (out - mean) / jnp.sqrt(var + 1e-5) * gamma + beta
    # context modulation (PDNorm-style adaptive shift/scale)
    mod = context @ Wm + bm
    shift, scale = mod[:C_OUT], mod[C_OUT:]
    normed = normed * (1.0 + scale) + shift
    # --- ReLU ---
    act = jax.nn.relu(normed) * valid
    return act

if __name__ == "__main__":
    import jax
    _d = setup_inputs()
    print(jax.jit(kernel)(*tuple(_d.values())))

</pallas_src>

<mosaic_0001>
#map = affine_map<(d0, d1) -> (0, 0)>
#map1 = affine_map<(d0, d1) -> (0)>
module attributes {stable_mosaic.version = 14 : i64} {
  func.func @gk(%arg0: i32, %arg1: i32, %arg2: memref<200000x32xf32, #tpu.memory_space<hbm>>, %arg3: memref<200704xi32, #tpu.memory_space<hbm>>, %arg4: memref<200704x32xf32, #tpu.memory_space<hbm>>, %arg5: memref<128xi32, #tpu.memory_space<vmem>>, %arg6: memref<128x32xf32, #tpu.memory_space<vmem>>, %arg7: memref<!tpu.dma_semaphore, #tpu.memory_space<semaphore_mem>>) attributes {dimension_semantics = [#tpu.dimension_semantics<core_parallel>, #tpu.dimension_semantics<subcore_parallel>], iteration_bounds = array<i64: 2, 16>, scalar_prefetch = 0 : i64, scratch_operands = 3 : i64, tpu.core_type = #tpu.core_type<sc_vector_subcore>, window_params = [{transform_indices = #map}, {transform_indices = #map1}, {transform_indices = #map}]} {
    %mul3A = arith.constant 2 : i32
    %mul3A_0 = arith.muli %arg1, %mul3A : i32
    %add3A = arith.addi %mul3A_0, %arg0 : i32
    %mul3A_1 = arith.constant 6272 : i32
    %mul3A_2 = arith.muli %add3A, %mul3A_1 : i32
    %scan3A = arith.constant 0 : i32
    %scan3A_3 = arith.constant 0 : i32
    %scan3A_4 = arith.constant 49 : i32
    %scan3A_5 = arith.addi %scan3A_3, %scan3A_4 : i32
    %scan3A_6 = arith.constant 1 : i32
    scf.for %scan3A_8 = %scan3A_3 to %scan3A_5 step %scan3A_6  : i32 {
      %mul3A_9 = arith.constant 128 : i32
      %mul3A_10 = arith.muli %scan3A_8, %mul3A_9 : i32
      %add3A_11 = arith.addi %mul3A_2, %mul3A_10 : i32
      "tpu.region"() ({
        %run_scoped3A = tpu.sem_alloc : memref<!tpu.dma_semaphore, #tpu.memory_space<semaphore_mem>>
        %dma_start3A_16 = tpu.memref_slice %arg3[%add3A_11] : memref<200704xi32, #tpu.memory_space<hbm>> -> memref<128xi32, #tpu.memory_space<hbm>>
        %dma_start3A_17 = tpu.memref_slice %arg3[%add3A_11] : memref<200704xi32, #tpu.memory_space<hbm>> -> memref<128xi32, #tpu.memory_space<hbm>>
        tpu.enqueue_dma source(%dma_start3A_17 : memref<128xi32, #tpu.memory_space<hbm>>) target(%arg5 : memref<128xi32, #tpu.memory_space<vmem>>) target_semaphore(%run_scoped3A : memref<!tpu.dma_semaphore, #tpu.memory_space<semaphore_mem>>)
        %dma_wait3A_18 = tpu.memref_slice %arg3[%add3A_11] : memref<200704xi32, #tpu.memory_space<hbm>> -> memref<128xi32, #tpu.memory_space<hbm>>
        %dma_wait3A_19 = tpu.memref_slice %arg3[%add3A_11] : memref<200704xi32, #tpu.memory_space<hbm>> -> memref<128xi32, #tpu.memory_space<hbm>>
        tpu.wait_dma2 semaphore(%run_scoped3A : memref<!tpu.dma_semaphore, #tpu.memory_space<semaphore_mem>>) src(%dma_wait3A_19 : memref<128xi32, #tpu.memory_space<hbm>>) dst(%arg5 : memref<128xi32, #tpu.memory_space<vmem>>)
        tpu.yield
      }) : () -> ()
      %dma_start3A = arith.constant 0 : i32
      %dma_start3A_12 = arith.constant 0 : i32
      %dma_start3A_13 = tpu.memref_slice %arg2[%dma_start3A, %dma_start3A_12] : memref<200000x32xf32, #tpu.memory_space<hbm>> -> memref<200000x32xf32, #tpu.memory_space<hbm>>
      tpu.enqueue_indirect_dma source(%dma_start3A_13 : memref<200000x32xf32, #tpu.memory_space<hbm>>) target(%arg6 : memref<128x32xf32, #tpu.memory_space<vmem>>) offsets(%arg5 : memref<128xi32, #tpu.memory_space<vmem>>) semaphore(%arg7 : memref<!tpu.dma_semaphore, #tpu.memory_space<semaphore_mem>>)
      %dma_wait3A = arith.constant 0 : i32
      %dma_wait3A_14 = arith.constant 0 : i32
      %dma_wait3A_15 = tpu.memref_slice %arg2[%dma_wait3A, %dma_wait3A_14] : memref<200000x32xf32, #tpu.memory_space<hbm>> -> memref<200000x32xf32, #tpu.memory_space<hbm>>
      tpu.wait_indirect_dma semaphore(%arg7 : memref<!tpu.dma_semaphore, #tpu.memory_space<semaphore_mem>>) src(%dma_wait3A_15 : memref<200000x32xf32, #tpu.memory_space<hbm>>) dst(%arg6 : memref<128x32xf32, #tpu.memory_space<vmem>>)
      "tpu.region"() ({
        %run_scoped3A = tpu.sem_alloc : memref<!tpu.dma_semaphore, #tpu.memory_space<semaphore_mem>>
        %dma_start3A_16 = arith.constant 0 : i32
        %dma_start3A_17 = tpu.memref_slice %arg4[%add3A_11, %dma_start3A_16] : memref<200704x32xf32, #tpu.memory_space<hbm>> -> memref<128x32xf32, #tpu.memory_space<hbm>>
        %dma_start3A_18 = arith.constant 0 : i32
        %dma_start3A_19 = tpu.memref_slice %arg4[%add3A_11, %dma_start3A_18] : memref<200704x32xf32, #tpu.memory_space<hbm>> -> memref<128x32xf32, #tpu.memory_space<hbm>>
        tpu.enqueue_dma source(%arg6 : memref<128x32xf32, #tpu.memory_space<vmem>>) target(%dma_start3A_19 : memref<128x32xf32, #tpu.memory_space<hbm>>) target_semaphore(%run_scoped3A : memref<!tpu.dma_semaphore, #tpu.memory_space<semaphore_mem>>)
        %dma_wait3A_20 = arith.constant 0 : i32
        %dma_wait3A_21 = tpu.memref_slice %arg4[%add3A_11, %dma_wait3A_20] : memref<200704x32xf32, #tpu.memory_space<hbm>> -> memref<128x32xf32, #tpu.memory_space<hbm>>
        %dma_wait3A_22 = arith.constant 0 : i32
        %dma_wait3A_23 = tpu.memref_slice %arg4[%add3A_11, %dma_wait3A_22] : memref<200704x32xf32, #tpu.memory_space<hbm>> -> memref<128x32xf32, #tpu.memory_space<hbm>>
        tpu.wait_dma2 semaphore(%run_scoped3A : memref<!tpu.dma_semaphore, #tpu.memory_space<semaphore_mem>>) src(%arg6 : memref<128x32xf32, #tpu.memory_space<vmem>>) dst(%dma_wait3A_23 : memref<128x32xf32, #tpu.memory_space<hbm>>)
        tpu.yield
      }) : () -> ()
    }
    %scan3A_7 = arith.constant 49 : i32
    return
  }
}

module attributes {stable_mosaic.version = 14 : i64} {
  func.func @_conv_body(%arg0: i32, %arg1: memref<800x32xf32, #tpu.memory_space<vmem>>, %arg2: memref<1x1x800xi32, #tpu.memory_space<vmem>>, %arg3: memref<1x1x800xi32, #tpu.memory_space<smem>>, %arg4: memref<800x1xbf16, #tpu.memory_space<vmem>>, %arg5: memref<256x64xbf16, #tpu.memory_space<vmem>>, %arg6: memref<1x64xf32, #tpu.memory_space<vmem>>, %arg7: memref<1x64xf32, #tpu.memory_space<vmem>>, %arg8: memref<1x256xf32, #tpu.memory_space<vmem>>, %arg9: memref<256x128xf32, #tpu.memory_space<vmem>>, %arg10: memref<1x128xf32, #tpu.memory_space<vmem>>, %arg11: memref<200x200xf32, #tpu.memory_space<vmem>>, %arg12: memref<208x200xf32, #tpu.memory_space<vmem>>, %arg13: memref<200x208xf32, #tpu.memory_space<vmem>>, %arg14: memref<32x256xbf16, #tpu.memory_space<vmem>>, %arg15: memref<1x256xbf16, #tpu.memory_space<vmem>>, %arg16: memref<1x256xbf16, #tpu.memory_space<vmem>>, %arg17: memref<200208x64xf32, #tpu.memory_space<any>>, %arg18: memref<1x64xf32, #tpu.memory_space<vmem>>, %arg19: memref<1x64xf32, #tpu.memory_space<vmem>>, %arg20: memref<1x1xi32, #tpu.memory_space<smem>>, %arg21: memref<4x208x64xf32, #tpu.memory_space<vmem>>, %arg22: memref<1x64xf32, #tpu.memory_space<vmem>>, %arg23: memref<1x64xf32, #tpu.memory_space<vmem>>, %arg24: memref<1x64xf32, #tpu.memory_space<vmem>>, %arg25: memref<2xi32, #tpu.memory_space<smem>>, %arg26: memref<4x!tpu.dma_semaphore, #tpu.memory_space<semaphore_mem>>) attributes {dimension_semantics = [#tpu.dimension_semantics<arbitrary>], iteration_bounds = array<i64: 250>, scalar_prefetch = 0 : i64, scratch_operands = 6 : i64, tpu.core_type = #tpu.core_type<tc>, window_params = [{transform_indices = @transform_0, window_bounds = array<i64: 800, 32>}, {transform_indices = @transform_1, window_bounds = array<i64: 1, 1, 800>}, {transform_indices = @transform_2, window_bounds = array<i64: 1, 1, 800>}, {transform_indices = @transform_3, window_bounds = array<i64: 800, 1>}, {pipeline_mode = #tpu.pipeline_mode<synchronous>, transform_indices = @transform_4, window_bounds = array<i64: 256, 64>}, {pipeline_mode = #tpu.pipeline_mode<synchronous>, transform_indices = @transform_5, window_bounds = array<i64: 1, 64>}, {pipeline_mode = #tpu.pipeline_mode<synchronous>, transform_indices = @transform_6, window_bounds = array<i64: 1, 64>}, {pipeline_mode = #tpu.pipeline_mode<synchronous>, transform_indices = @transform_7, window_bounds = array<i64: 1, 256>}, {pipeline_mode = #tpu.pipeline_mode<synchronous>, transform_indices = @transform_8, window_bounds = array<i64: 256, 128>}, {pipeline_mode = #tpu.pipeline_mode<synchronous>, transform_indices = @transform_9, window_bounds = array<i64: 1, 128>}, {pipeline_mode = #tpu.pipeline_mode<synchronous>, transform_indices = @transform_10, window_bounds = array<i64: 200, 200>}, {pipeline_mode = #tpu.pipeline_mode<synchronous>, transform_indices = @transform_11, window_bounds = array<i64: 208, 200>}, {pipeline_mode = #tpu.pipeline_mode<synchronous>, transform_indices = @transform_12, window_bounds = array<i64: 200, 208>}, {pipeline_mode = #tpu.pipeline_mode<synchronous>, transform_indices = @transform_13, window_bounds = array<i64: 32, 256>}, {pipeline_mode = #tpu.pipeline_mode<synchronous>, transform_indices = @transform_14, window_bounds = array<i64: 1, 256>}, {pipeline_mode = #tpu.pipeline_mode<synchronous>, transform_indices = @transform_15, window_bounds = array<i64: 1, 256>}, {}, {pipeline_mode = #tpu.pipeline_mode<synchronous>, transform_indices = @transform_17, window_bounds = array<i64: 1, 64>}, {pipeline_mode = #tpu.pipeline_mode<synchronous>, transform_indices = @transform_18, window_bounds = array<i64: 1, 64>}, {transform_indices = @transform_19, window_bounds = array<i64: 1, 1>}]} {
    %eq3A = arith.constant 0 : i32
    %eq3A_0 = arith.cmpi eq, %arg0, %eq3A : i32
    %convert_element_type3A = arith.extui %eq3A_0 : i1 to i32
    %cond3A = arith.constant 0 : i32
    %cond3A_1 = arith.cmpi ne, %convert_element_type3A, %cond3A : i32
    scf.if %cond3A_1 {
      %get3A_545 = arith.constant 0 : index
      %get3A_546 = arith.constant 0 : index
      %get3A_547 = arith.constant 0 : index
      %get3A_548 = memref.load %arg3[%get3A_545, %get3A_546, %get3A_547] : memref<1x1x800xi32, #tpu.memory_space<smem>>
      %shift_right_arithmetic3A_549 = arith.constant 3 : i32
      %shift_right_arithmetic3A_550 = arith.shrsi %get3A_548, %shift_right_arithmetic3A_549 : i32
      %swap3A_551 = arith.constant 0 : index
      %swap3A_552 = memref.load %arg25[%swap3A_551] : memref<2xi32, #tpu.memory_space<smem>>
      memref.store %shift_right_arithmetic3A_550, %arg25[%swap3A_551] : memref<2xi32, #tpu.memory_space<smem>>
      %swap3A_553 = arith.constant 0 : i32
      %swap3A_554 = arith.constant 1 : index
      %swap3A_555 = memref.load %arg25[%swap3A_554] : memref<2xi32, #tpu.memory_space<smem>>
      memref.store %swap3A_553, %arg25[%swap3A_554] : memref<2xi32, #tpu.memory_space<smem>>
      %broadcast_in_dim3A_556 = arith.constant 0.000000e+00 : f32
      %broadcast_in_dim3A_557 = vector.broadcast %broadcast_in_dim3A_556 : f32 to vector<1x64xf32>
      %swap3A_558 = arith.constant 0 : index
      %swap3A_559 = arith.constant 0 : index
      %swap3A_560 = vector.load %arg22[%swap3A_558, %swap3A_559] : memref<1x64xf32, #tpu.memory_space<vmem>>, vector<1x64xf32>
      tpu.vector_store %arg22[%swap3A_558, %swap3A_559], %broadcast_in_dim3A_557 {strides = array<i32>} : memref<1x64xf32, #tpu.memory_space<vmem>>, vector<1x64xf32>,
      %broadcast_in_dim3A_561 = arith.constant 0.000000e+00 : f32
      %broadcast_in_dim3A_562 = vector.broadcast %broadcast_in_dim3A_561 : f32 to vector<1x64xf32>
      %swap3A_563 = arith.constant 0 : index
      %swap3A_564 = arith.constant 0 : index
      %swap3A_565 = vector.load %arg23[%swap3A_563, %swap3A_564] : memref<1x64xf32, #tpu.memory_space<vmem>>, vector<1x64xf32>
      tpu.vector_store %arg23[%swap3A_563, %swap3A_564], %broadcast_in_dim3A_562 {strides = array<i32>} : memref<1x64xf32, #tpu.memory_space<vmem>>, vector<1x64xf32>,
      %broadcast_in_dim3A_566 = arith.constant 0.000000e+00 : f32
      %broadcast_in_dim3A_567 = vector.broadcast %broadcast_in_dim3A_566 : f32 to vector<1x64xf32>
      %swap3A_568 = arith.constant 0 : index
      %swap3A_569 = arith.constant 0 : index
      %swap3A_570 = vector.load %arg24[%swap3A_568, %swap3A_569] : memref<1x64xf32, #tpu.memory_space<vmem>>, vector<1x64xf32>
      tpu.vector_store %arg24[%swap3A_568, %swap3A_569], %broadcast_in_dim3A_567 {strides = array<i32>} : memref<1x64xf32, #tpu.memory_space<vmem>>, vector<1x64xf32>,
    } else {
    }
    %gt3A = arith.constant 0 : i32
    %gt3A_2 = arith.cmpi sgt, %arg0, %gt3A : i32
    %convert_element_type3A_3 = arith.extui %gt3A_2 : i1 to i32
    %cond3A_4 = arith.constant 0 : i32
    %cond3A_5 = arith.cmpi ne, %convert_element_type3A_3, %cond3A_4 : i32
    scf.if %cond3A_5 {
      %dma_wait3A = arith.constant 0 : i32
      %dma_wait3A_545 = arith.constant 0 : i32
      %dma_wait3A_546 = tpu.memref_slice %arg26[%dma_wait3A_545] : memref<4x!tpu.dma_semaphore, #tpu.memory_space<semaphore_mem>> -> memref<1x!tpu.dma_semaphore, #tpu.memory_space<semaphore_mem>>
      %dma_wait3A_547 = tpu.memref_squeeze %dma_wait3A_546 : memref<1x!tpu.dma_semaphore, #tpu.memory_space<semaphore_mem>> -> memref<!tpu.dma_semaphore, #tpu.memory_space<semaphore_mem>>
      %dma_wait3A_548 = arith.constant 0 : i32
      %dma_wait3A_549 = arith.constant 0 : i32
      %dma_wait3A_550 = tpu.memref_slice %arg17[%dma_wait3A_548, %dma_wait3A_549] : memref<200208x64xf32, #tpu.memory_space<any>> -> memref<208x64xf32, #tpu.memory_space<any>>
      %dma_wait3A_551 = arith.constant 0 : i32
      %dma_wait3A_552 = arith.constant 0 : i32
      %dma_wait3A_553 = tpu.memref_slice %arg21[%dma_wait3A, %dma_wait3A_551, %dma_wait3A_552] : memref<4x208x64xf32, #tpu.memory_space<vmem>> -> memref<1x208x64xf32, #tpu.memory_space<vmem>>
      %dma_wait3A_554 = tpu.memref_squeeze %dma_wait3A_553 : memref<1x208x64xf32, #tpu.memory_space<vmem>> -> memref<208x64xf32, #tpu.memory_space<vmem>>
      tpu.wait_dma2 semaphore(%dma_wait3A_547 : memref<!tpu.dma_semaphore, #tpu.memory_space<semaphore_mem>>) src(%dma_wait3A_554 : memref<208x64xf32, #tpu.memory_space<vmem>>) dst(%dma_wait3A_550 : memref<208x64xf32, #tpu.memory_space<any>>)
      %dma_wait3A_555 = arith.constant 1 : i32
      %dma_wait3A_556 = arith.constant 1 : i32
      %dma_wait3A_557 = tpu.memref_slice %arg26[%dma_wait3A_556] : memref<4x!tpu.dma_semaphore, #tpu.memory_space<semaphore_mem>> -> memref<1x!tpu.dma_semaphore, #tpu.memory_space<semaphore_mem>>
      %dma_wait3A_558 = tpu.memref_squeeze %dma_wait3A_557 : memref<1x!tpu.dma_semaphore, #tpu.memory_space<semaphore_mem>> -> memref<!tpu.dma_semaphore, #tpu.memory_space<semaphore_mem>>
      %dma_wait3A_559 = arith.constant 0 : i32
      %dma_wait3A_560 = arith.constant 0 : i32
      %dma_wait3A_561 = tpu.memref_slice %arg17[%dma_wait3A_559, %dma_wait3A_560] : memref<200208x64xf32, #tpu.memory_space<any>> -> memref<208x64xf32, #tpu.memory_space<any>>
      %dma_wait3A_562 = arith.constant 0 : i32
      %dma_wait3A_563 = arith.constant 0 : i32
      %dma_wait3A_564 = tpu.memref_slice %arg21[%dma_wait3A_555, %dma_wait3A_562, %dma_wait3A_563] : memref<4x208x64xf32, #tpu.memory_space<vmem>> -> memref<1x208x64xf32, #tpu.memory_space<vmem>>
      %dma_wait3A_565 = tpu.memref_squeeze %dma_wait3A_564 : memref<1x208x64xf32, #tpu.memory_space<vmem>> -> memref<208x64xf32, #tpu.memory_space<vmem>>
      tpu.wait_dma2 semaphore(%dma_wait3A_558 : memref<!tpu.dma_semaphore, #tpu.memory_space<semaphore_mem>>) src(%dma_wait3A_565 : memref<208x64xf32, #tpu.memory_space<vmem>>) dst(%dma_wait3A_561 : memref<208x64xf32, #tpu.memory_space<any>>)
      %dma_wait3A_566 = arith.constant 2 : i32
      %dma_wait3A_567 = arith.constant 2 : i32
      %dma_wait3A_568 = tpu.memref_slice %arg26[%dma_wait3A_567] : memref<4x!tpu.dma_semaphore, #tpu.memory_space<semaphore_mem>> -> memref<1x!tpu.dma_semaphore, #tpu.memory_space<semaphore_mem>>
      %dma_wait3A_569 = tpu.memref_squeeze %dma_wait3A_568 : memref<1x!tpu.dma_semaphore, #tpu.memory_space<semaphore_mem>> -> memref<!tpu.dma_semaphore, #tpu.memory_space<semaphore_mem>>
      %dma_wait3A_570 = arith.constant 0 : i32
      %dma_wait3A_571 = arith.constant 0 : i32
      %dma_wait3A_572 = tpu.memref_slice %arg17[%dma_wait3A_570, %dma_wait3A_571] : memref<200208x64xf32, #tpu.memory_space<any>> -> memref<208x64xf32, #tpu.memory_space<any>>
      %dma_wait3A_573 = arith.constant 0 : i32
      %dma_wait3A_574 = arith.constant 0 : i32
      %dma_wait3A_575 = tpu.memref_slice %arg21[%dma_wait3A_566, %dma_wait3A_573, %dma_wait3A_574] : memref<4x208x64xf32, #tpu.memory_space<vmem>> -> memref<1x208x64xf32, #tpu.memory_space<vmem>>
      %dma_wait3A_576 = tpu.memref_squeeze %dma_wait3A_575 : memref<1x208x64xf32, #tpu.memory_space<vmem>> -> memref<208x64xf32, #tpu.memory_space<vmem>>
      tpu.wait_dma2 semaphore(%dma_wait3A_569 : memref<!tpu.dma_semaphore, #tpu.memory_space<semaphore_mem>>) src(%dma_wait3A_576 : memref<208x64xf32, #tpu.memory_space<vmem>>) dst(%dma_wait3A_572 : memref<208x64xf32, #tpu.memory_space<any>>)
      %dma_wait3A_577 = arith.constant 3 : i32
      %dma_wait3A_578 = arith.constant 3 : i32
      %dma_wait3A_579 = tpu.memref_slice %arg26[%dma_wait3A_578] : memref<4x!tpu.dma_semaphore, #tpu.memory_space<semaphore_mem>> -> memref<1x!tpu.dma_semaphore, #tpu.memory_space<semaphore_mem>>
      %dma_wait3A_580 = tpu.memref_squeeze %dma_wait3A_579 : memref<1x!tpu.dma_semaphore, #tpu.memory_space<semaphore_mem>> -> memref<!tpu.dma_semaphore, #tpu.memory_space<semaphore_mem>>
      %dma_wait3A_581 = arith.constant 0 : i32
      %dma_wait3A_582 = arith.constant 0 : i32
      %dma_wait3A_583 = tpu.memref_slice %arg17[%dma_wait3A_581, %dma_wait3A_582] : memref<200208x64xf32, #tpu.memory_space<any>> -> memref<208x64xf32, #tpu.memory_space<any>>
      %dma_wait3A_584 = arith.constant 0 : i32
      %dma_wait3A_585 = arith.constant 0 : i32
      %dma_wait3A_586 = tpu.memref_slice %arg21[%dma_wait3A_577, %dma_wait3A_584, %dma_wait3A_585] : memref<4x208x64xf32, #tpu.memory_space<vmem>> -> memref<1x208x64xf32, #tpu.memory_space<vmem>>
      %dma_wait3A_587 = tpu.memref_squeeze %dma_wait3A_586 : memref<1x208x64xf32, #tpu.memory_space<vmem>> -> memref<208x64xf32, #tpu.memory_space<vmem>>
      tpu.wait_dma2 semaphore(%dma_wait3A_580 : memref<!tpu.dma_semaphore, #tpu.memory_space<semaphore_mem>>) src(%dma_wait3A_587 : memref<208x64xf32, #tpu.memory_space<vmem>>) dst(%dma_wait3A_583 : memref<208x64xf32, #tpu.memory_space<any>>)
    } else {
    }
    %get3A = arith.constant 0 : index
    %get3A_6 = arith.constant 0 : index
    %get3A_7 = arith.constant 0 : index
    %get3A_8 = vector.load %arg2[%get3A, %get3A_6, %get3A_7] : memref<1x1x800xi32, #tpu.memory_space<vmem>>, vector<1x1x800xi32>
    %get3A_9 = vector.shape_cast %get3A_8 : vector<1x1x800xi32> to vector<1x800xi32>
    %shift_right_arithmetic3A = arith.constant 3 : i32
    %shift_right_arithmetic3A_10 = vector.broadcast %shift_right_arithmetic3A : i32 to vector<1x800xi32>
    %shift_right_arithmetic3A_11 = arith.shrsi %get3A_9, %shift_right_arithmetic3A_10 : vector<1x800xi32>
    %iota3A = tpu.iota {dimensions = array<i32: 1>} : vector<1x200xi32>
    %iota3A_12 = tpu.iota {dimensions = array<i32: 1>} : vector<1x208xi32>
    %convert_element_type3A_13 = arith.sitofp %iota3A_12 : vector<1x208xi32> to vector<1x208xf32>
    %get3A_14 = arith.constant 0 : index
    %get3A_15 = arith.constant 0 : index
    %get3A_16 = vector.load %arg11[%get3A_14, %get3A_15] : memref<200x200xf32, #tpu.memory_space<vmem>>, vector<200x200xf32>
    %get3A_17 = arith.constant 0 : index
    %get3A_18 = arith.constant 0 : index
    %get3A_19 = vector.load %arg12[%get3A_17, %get3A_18] : memref<208x200xf32, #tpu.memory_space<vmem>>, vector<208x200xf32>
    %get3A_20 = arith.constant 0 : index
    %get3A_21 = arith.constant 0 : index
    %get3A_22 = vector.load %arg13[%get3A_20, %get3A_21] : memref<200x208xf32, #tpu.memory_space<vmem>>, vector<200x208xf32>
    %get3A_23 = arith.constant 0 : index
    %get3A_24 = arith.constant 0 : index
    %get3A_25 = vector.load %arg14[%get3A_23, %get3A_24] : memref<32x256xbf16, #tpu.memory_space<vmem>>, vector<32x256xbf16>
    %get3A_26 = arith.constant 0 : index
    %get3A_27 = arith.constant 0 : index
    %get3A_28 = vector.load %arg15[%get3A_26, %get3A_27] : memref<1x256xbf16, #tpu.memory_space<vmem>>, vector<1x256xbf16>
    %get3A_29 = arith.constant 0 : index
    %get3A_30 = arith.constant 0 : index
    %get3A_31 = vector.load %arg16[%get3A_29, %get3A_30] : memref<1x256xbf16, #tpu.memory_space<vmem>>, vector<1x256xbf16>
    %get3A_32 = arith.constant 1 : index
    %get3A_33 = memref.load %arg25[%get3A_32] : memref<2xi32, #tpu.memory_space<smem>>
    %get3A_34 = arith.constant 0 : index
    %get3A_35 = arith.constant 0 : index
    %get3A_36 = vector.load %arg22[%get3A_34, %get3A_35] : memref<1x64xf32, #tpu.memory_space<vmem>>, vector<1x64xf32>
    %get3A_37 = arith.constant 0 : index
    %get3A_38 = arith.constant 0 : index
    %get3A_39 = vector.load %arg23[%get3A_37, %get3A_38] : memref<1x64xf32, #tpu.memory_space<vmem>>, vector<1x64xf32>
    %get3A_40 = arith.constant 0 : index
    %get3A_41 = arith.constant 0 : index
    %get3A_42 = vector.load %arg24[%get3A_40, %get3A_41] : memref<1x64xf32, #tpu.memory_space<vmem>>, vector<1x64xf32>
    %slice3A = vector.extract_strided_slice %shift_right_arithmetic3A_11 {offsets = [0, 0], sizes = [1, 200], strides = [1, 1]} : vector<1x800xi32> to vector<1x200xi32>
    %get3A_43 = arith.constant 0 : index
    %get3A_44 = memref.load %arg25[%get3A_43] : memref<2xi32, #tpu.memory_space<smem>>
    %eq3A_45 = arith.constant 0 : i32
    %eq3A_46 = vector.broadcast %eq3A_45 : i32 to vector<1x200xi32>
    %eq3A_47 = arith.cmpi eq, %iota3A, %eq3A_46 : vector<1x200xi32>
    %roll3A = arith.constant 1 : i32
    %roll3A_48 = tpu.dynamic_rotate %slice3A by %roll3A dim 1 : vector<1x200xi32>, i32 -> vector<1x200xi32>
    %broadcast_in_dim3A = vector.broadcast %get3A_44 : i32 to vector<1x200xi32>
    %select_n3A = arith.select %eq3A_47, %broadcast_in_dim3A, %roll3A_48 : vector<1x200xi1>, vector<1x200xi32>
    %ne3A = arith.cmpi ne, %slice3A, %select_n3A : vector<1x200xi32>
    %convert_element_type3A_49 = arith.extui %ne3A : vector<1x200xi1> to vector<1x200xi32>
    %convert_element_type3A_50 = arith.sitofp %convert_element_type3A_49 : vector<1x200xi32> to vector<1x200xf32>
    %dot_general3A = arith.constant dense<0.000000e+00> : vector<1x200xf32>
    %dot_general3A_51 = tpu.matmul %convert_element_type3A_50, %get3A_16, %dot_general3A {dimension_numbers = #tpu.dot_dimension_numbers<[1], [0], [0], [1], [0, 0, 1, 1], [], []>, transpose_lhs_hint = false} : vector<1x200xf32>, vector<200x200xf32>, vector<1x200xf32> -> vector<1x200xf32>
    %dot_general3A_52 = arith.constant dense<0.000000e+00> : vector<1x208xf32>
    %dot_general3A_53 = tpu.matmul %dot_general3A_51, %get3A_22, %dot_general3A_52 {dimension_numbers = #tpu.dot_dimension_numbers<[1], [0], [0], [1], [0, 0, 1, 1], [], []>, transpose_lhs_hint = false} : vector<1x200xf32>, vector<200x208xf32>, vector<1x208xf32> -> vector<1x208xf32>
    %get3A_54 = arith.constant 0 : index
    %get3A_55 = arith.constant 0 : index
    %get3A_56 = vector.load %arg1[%get3A_54, %get3A_55] : memref<800x32xf32, #tpu.memory_space<vmem>>, vector<200x32xf32>
    %convert_element_type3A_57 = arith.truncf %get3A_56 : vector<200x32xf32> to vector<200x32xbf16>
    %get3A_58 = arith.constant 0 : index
    %get3A_59 = arith.constant 0 : index
    %get3A_60 = vector.load %arg4[%get3A_58, %get3A_59] : memref<800x1xbf16, #tpu.memory_space<vmem>>, vector<200x1xbf16>
    %dot_general3A_61 = arith.constant dense<0.000000e+00> : vector<200x256xf32>
    %dot_general3A_62 = tpu.matmul %convert_element_type3A_57, %get3A_25, %dot_general3A_61 {dimension_numbers = #tpu.dot_dimension_numbers<[1], [0], [0], [1], [0, 0, 1, 1], [], []>, transpose_lhs_hint = false} : vector<200x32xbf16>, vector<32x256xbf16>, vector<200x256xf32> -> vector<200x256xf32>
    %dot_general3A_63 = arith.constant dense<0.000000e+00> : vector<200x256xf32>
    %dot_general3A_64 = tpu.matmul %get3A_60, %get3A_31, %dot_general3A_63 {dimension_numbers = #tpu.dot_dimension_numbers<[1], [0], [0], [1], [0, 0, 1, 1], [], []>, transpose_lhs_hint = false} : vector<200x1xbf16>, vector<1x256xbf16>, vector<200x256xf32> -> vector<200x256xf32>
    %convert_element_type3A_65 = arith.extf %get3A_28 : vector<1x256xbf16> to vector<1x256xf32>
    %eq3A_66 = vector.broadcast %convert_element_type3A_65 : vector<1x256xf32> to vector<200x256xf32>
    %eq3A_67 = arith.cmpf oeq, %dot_general3A_64, %eq3A_66 : vector<200x256xf32>
    %jit3A = arith.constant 0.000000e+00 : f32
    %broadcast_in_dim3A_68 = vector.broadcast %jit3A : f32 to vector<200x256xf32>
    %select_n3A_69 = arith.select %eq3A_67, %dot_general3A_62, %broadcast_in_dim3A_68 : vector<200x256xi1>, vector<200x256xf32>
    %convert_element_type3A_70 = arith.truncf %select_n3A_69 : vector<200x256xf32> to vector<200x256xbf16>
    %get3A_71 = arith.constant 0 : index
    %get3A_72 = arith.constant 0 : index
    %get3A_73 = vector.load %arg5[%get3A_71, %get3A_72] : memref<256x64xbf16, #tpu.memory_space<vmem>>, vector<256x64xbf16>
    %dot_general3A_74 = arith.constant dense<0.000000e+00> : vector<200x64xf32>
    %dot_general3A_75 = tpu.matmul %convert_element_type3A_70, %get3A_73, %dot_general3A_74 {dimension_numbers = #tpu.dot_dimension_numbers<[1], [0], [0], [1], [0, 0, 1, 1], [], []>, transpose_lhs_hint = false} : vector<200x256xbf16>, vector<256x64xbf16>, vector<200x64xf32> -> vector<200x64xf32>
    %convert_element_type3A_76 = arith.truncf %dot_general3A_75 : vector<200x64xf32> to vector<200x64xbf16>
    %eq3A_77 = vector.broadcast %dot_general3A_51 : vector<1x200xf32> to vector<208x200xf32>
    %eq3A_78 = arith.cmpf oeq, %get3A_19, %eq3A_77 : vector<208x200xf32>
    %convert_element_type3A_79 = arith.extui %eq3A_78 : vector<208x200xi1> to vector<208x200xi32>
    %convert_element_type3A_80 = arith.sitofp %convert_element_type3A_79 : vector<208x200xi32> to vector<208x200xf32>
    %convert_element_type3A_81 = arith.truncf %convert_element_type3A_80 : vector<208x200xf32> to vector<208x200xbf16>
    %dot_general3A_82 = arith.constant dense<0.000000e+00> : vector<208x64xf32>
    %dot_general3A_83 = tpu.matmul %convert_element_type3A_81, %convert_element_type3A_76, %dot_general3A_82 {dimension_numbers = #tpu.dot_dimension_numbers<[1], [0], [0], [1], [0, 0, 1, 1], [], []>, transpose_lhs_hint = false} : vector<208x200xbf16>, vector<200x64xbf16>, vector<208x64xf32> -> vector<208x64xf32>
    %add3A = arith.constant 0.000000e+00 : f32
    %add3A_84 = vector.broadcast %add3A : f32 to vector<1x208xf32>
    %add3A_85 = arith.addf %dot_general3A_53, %add3A_84 : vector<1x208xf32>
    %lt3A = arith.cmpf olt, %convert_element_type3A_13, %add3A_85 : vector<1x208xf32>
    %convert_element_type3A_86 = arith.extui %lt3A : vector<1x208xi1> to vector<1x208xi32>
    %convert_element_type3A_87 = arith.sitofp %convert_element_type3A_86 : vector<1x208xi32> to vector<1x208xf32>
    %dot_general3A_88 = arith.constant dense<0.000000e+00> : vector<1x64xf32>
    %dot_general3A_89 = tpu.matmul %convert_element_type3A_87, %dot_general3A_83, %dot_general3A_88 {dimension_numbers = #tpu.dot_dimension_numbers<[1], [0], [0], [1], [0, 0, 1, 1], [], []>, transpose_lhs_hint = false} : vector<1x208xf32>, vector<208x64xf32>, vector<1x64xf32> -> vector<1x64xf32>
    %mul3A = arith.mulf %dot_general3A_83, %dot_general3A_83 : vector<208x64xf32>
    %dot_general3A_90 = arith.constant dense<0.000000e+00> : vector<1x64xf32>
    %dot_general3A_91 = tpu.matmul %convert_element_type3A_87, %mul3A, %dot_general3A_90 {dimension_numbers = #tpu.dot_dimension_numbers<[1], [0], [0], [1], [0, 0, 1, 1], [], []>, transpose_lhs_hint = false} : vector<1x208xf32>, vector<208x64xf32>, vector<1x64xf32> -> vector<1x64xf32>
    %eq3A_92 = arith.cmpf oeq, %convert_element_type3A_13, %dot_general3A_53 : vector<1x208xf32>
    %convert_element_type3A_93 = arith.extui %eq3A_92 : vector<1x208xi1> to vector<1x208xi32>
    %convert_element_type3A_94 = arith.sitofp %convert_element_type3A_93 : vector<1x208xi32> to vector<1x208xf32>
    %dot_general3A_95 = arith.constant dense<0.000000e+00> : vector<1x64xf32>
    %dot_general3A_96 = tpu.matmul %convert_element_type3A_94, %dot_general3A_83, %dot_general3A_95 {dimension_numbers = #tpu.dot_dimension_numbers<[1], [0], [0], [1], [0, 0, 1, 1], [], []>, transpose_lhs_hint = false} : vector<1x208xf32>, vector<208x64xf32>, vector<1x64xf32> -> vector<1x64xf32>
    %slice3A_97 = vector.extract_strided_slice %dot_general3A_83 {offsets = [0, 0], sizes = [1, 64], strides = [1, 1]} : vector<208x64xf32> to vector<1x64xf32>
    %swap3A = arith.constant 0 : index
    %swap3A_98 = arith.constant 0 : index
    %swap3A_99 = arith.constant 0 : index
    %swap3A_100 = vector.load %arg21[%swap3A, %swap3A_98, %swap3A_99] : memref<4x208x64xf32, #tpu.memory_space<vmem>>, vector<1x208x64xf32>
    %swap3A_101 = vector.shape_cast %swap3A_100 : vector<1x208x64xf32> to vector<208x64xf32>
    %swap3A_102 = vector.shape_cast %dot_general3A_83 : vector<208x64xf32> to vector<1x208x64xf32>
    tpu.vector_store %arg21[%swap3A, %swap3A_98, %swap3A_99], %swap3A_102 {strides = array<i32>} : memref<4x208x64xf32, #tpu.memory_space<vmem>>, vector<1x208x64xf32>,
    %slice3A_103 = vector.extract_strided_slice %dot_general3A_51 {offsets = [0, 199], sizes = [1, 1], strides = [1, 1]} : vector<1x200xf32> to vector<1x1xf32>
    %squeeze3A = vector.extract %slice3A_103[0, 0] : f32 from vector<1x1xf32>
    %slice3A_104 = vector.extract_strided_slice %shift_right_arithmetic3A_11 {offsets = [0, 200], sizes = [1, 200], strides = [1, 1]} : vector<1x800xi32> to vector<1x200xi32>
    %get3A_105 = arith.constant 0 : index
    %get3A_106 = arith.constant 0 : index
    %get3A_107 = arith.constant 199 : index
    %get3A_108 = memref.load %arg3[%get3A_105, %get3A_106, %get3A_107] : memref<1x1x800xi32, #tpu.memory_space<smem>>
    %shift_right_arithmetic3A_109 = arith.constant 3 : i32
    %shift_right_arithmetic3A_110 = arith.shrsi %get3A_108, %shift_right_arithmetic3A_109 : i32
    %eq3A_111 = arith.constant 0 : i32
    %eq3A_112 = vector.broadcast %eq3A_111 : i32 to vector<1x200xi32>
    %eq3A_113 = arith.cmpi eq, %iota3A, %eq3A_112 : vector<1x200xi32>
    %roll3A_114 = arith.constant 1 : i32
    %roll3A_115 = tpu.dynamic_rotate %slice3A_104 by %roll3A_114 dim 1 : vector<1x200xi32>, i32 -> vector<1x200xi32>
    %broadcast_in_dim3A_116 = vector.broadcast %shift_right_arithmetic3A_110 : i32 to vector<1x200xi32>
    %select_n3A_117 = arith.select %eq3A_113, %broadcast_in_dim3A_116, %roll3A_115 : vector<1x200xi1>, vector<1x200xi32>
    %ne3A_118 = arith.cmpi ne, %slice3A_104, %select_n3A_117 : vector<1x200xi32>
    %convert_element_type3A_119 = arith.extui %ne3A_118 : vector<1x200xi1> to vector<1x200xi32>
    %convert_element_type3A_120 = arith.sitofp %convert_element_type3A_119 : vector<1x200xi32> to vector<1x200xf32>
    %dot_general3A_121 = arith.constant dense<0.000000e+00> : vector<1x200xf32>
    %dot_general3A_122 = tpu.matmul %convert_element_type3A_120, %get3A_16, %dot_general3A_121 {dimension_numbers = #tpu.dot_dimension_numbers<[1], [0], [0], [1], [0, 0, 1, 1], [], []>, transpose_lhs_hint = false} : vector<1x200xf32>, vector<200x200xf32>, vector<1x200xf32> -> vector<1x200xf32>
    %dot_general3A_123 = arith.constant dense<0.000000e+00> : vector<1x208xf32>
    %dot_general3A_124 = tpu.matmul %dot_general3A_122, %get3A_22, %dot_general3A_123 {dimension_numbers = #tpu.dot_dimension_numbers<[1], [0], [0], [1], [0, 0, 1, 1], [], []>, transpose_lhs_hint = false} : vector<1x200xf32>, vector<200x208xf32>, vector<1x208xf32> -> vector<1x208xf32>
    %get3A_125 = arith.constant 200 : index
    %get3A_126 = arith.constant 0 : index
    %get3A_127 = vector.load %arg1[%get3A_125, %get3A_126] : memref<800x32xf32, #tpu.memory_space<vmem>>, vector<200x32xf32>
    %convert_element_type3A_128 = arith.truncf %get3A_127 : vector<200x32xf32> to vector<200x32xbf16>
    %get3A_129 = arith.constant 200 : index
    %get3A_130 = arith.constant 0 : index
    %get3A_131 = vector.load %arg4[%get3A_129, %get3A_130] : memref<800x1xbf16, #tpu.memory_space<vmem>>, vector<200x1xbf16>
    %dot_general3A_132 = arith.constant dense<0.000000e+00> : vector<200x256xf32>
    %dot_general3A_133 = tpu.matmul %convert_element_type3A_128, %get3A_25, %dot_general3A_132 {dimension_numbers = #tpu.dot_dimension_numbers<[1], [0], [0], [1], [0, 0, 1, 1], [], []>, transpose_lhs_hint = false} : vector<200x32xbf16>, vector<32x256xbf16>, vector<200x256xf32> -> vector<200x256xf32>
    %dot_general3A_134 = arith.constant dense<0.000000e+00> : vector<200x256xf32>
    %dot_general3A_135 = tpu.matmul %get3A_131, %get3A_31, %dot_general3A_134 {dimension_numbers = #tpu.dot_dimension_numbers<[1], [0], [0], [1], [0, 0, 1, 1], [], []>, transpose_lhs_hint = false} : vector<200x1xbf16>, vector<1x256xbf16>, vector<200x256xf32> -> vector<200x256xf32>
    %convert_element_type3A_136 = arith.extf %get3A_28 : vector<1x256xbf16> to vector<1x256xf32>
    %eq3A_137 = vector.broadcast %convert_element_type3A_136 : vector<1x256xf32> to vector<200x256xf32>
    %eq3A_138 = arith.cmpf oeq, %dot_general3A_135, %eq3A_137 : vector<200x256xf32>
    %jit3A_139 = arith.constant 0.000000e+00 : f32
    %broadcast_in_dim3A_140 = vector.broadcast %jit3A_139 : f32 to vector<200x256xf32>
    %select_n3A_141 = arith.select %eq3A_138, %dot_general3A_133, %broadcast_in_dim3A_140 : vector<200x256xi1>, vector<200x256xf32>
    %convert_element_type3A_142 = arith.truncf %select_n3A_141 : vector<200x256xf32> to vector<200x256xbf16>
    %get3A_143 = arith.constant 0 : index
    %get3A_144 = arith.constant 0 : index
    %get3A_145 = vector.load %arg5[%get3A_143, %get3A_144] : memref<256x64xbf16, #tpu.memory_space<vmem>>, vector<256x64xbf16>
    %dot_general3A_146 = arith.constant dense<0.000000e+00> : vector<200x64xf32>
    %dot_general3A_147 = tpu.matmul %convert_element_type3A_142, %get3A_145, %dot_general3A_146 {dimension_numbers = #tpu.dot_dimension_numbers<[1], [0], [0], [1], [0, 0, 1, 1], [], []>, transpose_lhs_hint = false} : vector<200x256xbf16>, vector<256x64xbf16>, vector<200x64xf32> -> vector<200x64xf32>
    %convert_element_type3A_148 = arith.truncf %dot_general3A_147 : vector<200x64xf32> to vector<200x64xbf16>
    %eq3A_149 = vector.broadcast %dot_general3A_122 : vector<1x200xf32> to vector<208x200xf32>
    %eq3A_150 = arith.cmpf oeq, %get3A_19, %eq3A_149 : vector<208x200xf32>
    %convert_element_type3A_151 = arith.extui %eq3A_150 : vector<208x200xi1> to vector<208x200xi32>
    %convert_element_type3A_152 = arith.sitofp %convert_element_type3A_151 : vector<208x200xi32> to vector<208x200xf32>
    %convert_element_type3A_153 = arith.truncf %convert_element_type3A_152 : vector<208x200xf32> to vector<208x200xbf16>
    %dot_general3A_154 = arith.constant dense<0.000000e+00> : vector<208x64xf32>
    %dot_general3A_155 = tpu.matmul %convert_element_type3A_153, %convert_element_type3A_148, %dot_general3A_154 {dimension_numbers = #tpu.dot_dimension_numbers<[1], [0], [0], [1], [0, 0, 1, 1], [], []>, transpose_lhs_hint = false} : vector<208x200xbf16>, vector<200x64xbf16>, vector<208x64xf32> -> vector<208x64xf32>
    %add3A_156 = arith.constant 0.000000e+00 : f32
    %add3A_157 = vector.broadcast %add3A_156 : f32 to vector<1x208xf32>
    %add3A_158 = arith.addf %dot_general3A_124, %add3A_157 : vector<1x208xf32>
    %lt3A_159 = arith.cmpf olt, %convert_element_type3A_13, %add3A_158 : vector<1x208xf32>
    %convert_element_type3A_160 = arith.extui %lt3A_159 : vector<1x208xi1> to vector<1x208xi32>
    %convert_element_type3A_161 = arith.sitofp %convert_element_type3A_160 : vector<1x208xi32> to vector<1x208xf32>
    %dot_general3A_162 = arith.constant dense<0.000000e+00> : vector<1x64xf32>
    %dot_general3A_163 = tpu.matmul %convert_element_type3A_161, %dot_general3A_155, %dot_general3A_162 {dimension_numbers = #tpu.dot_dimension_numbers<[1], [0], [0], [1], [0, 0, 1, 1], [], []>, transpose_lhs_hint = false} : vector<1x208xf32>, vector<208x64xf32>, vector<1x64xf32> -> vector<1x64xf32>
    %mul3A_164 = arith.mulf %dot_general3A_155, %dot_general3A_155 : vector<208x64xf32>
    %dot_general3A_165 = arith.constant dense<0.000000e+00> : vector<1x64xf32>
    %dot_general3A_166 = tpu.matmul %convert_element_type3A_161, %mul3A_164, %dot_general3A_165 {dimension_numbers = #tpu.dot_dimension_numbers<[1], [0], [0], [1], [0, 0, 1, 1], [], []>, transpose_lhs_hint = false} : vector<1x208xf32>, vector<208x64xf32>, vector<1x64xf32> -> vector<1x64xf32>
    %eq3A_167 = arith.cmpf oeq, %convert_element_type3A_13, %dot_general3A_124 : vector<1x208xf32>
    %convert_element_type3A_168 = arith.extui %eq3A_167 : vector<1x208xi1> to vector<1x208xi32>
    %convert_element_type3A_169 = arith.sitofp %convert_element_type3A_168 : vector<1x208xi32> to vector<1x208xf32>
    %dot_general3A_170 = arith.constant dense<0.000000e+00> : vector<1x64xf32>
    %dot_general3A_171 = tpu.matmul %convert_element_type3A_169, %dot_general3A_155, %dot_general3A_170 {dimension_numbers = #tpu.dot_dimension_numbers<[1], [0], [0], [1], [0, 0, 1, 1], [], []>, transpose_lhs_hint = false} : vector<1x208xf32>, vector<208x64xf32>, vector<1x64xf32> -> vector<1x64xf32>
    %slice3A_172 = vector.extract_strided_slice %dot_general3A_155 {offsets = [0, 0], sizes = [1, 64], strides = [1, 1]} : vector<208x64xf32> to vector<1x64xf32>
    %swap3A_173 = arith.constant 1 : index
    %swap3A_174 = arith.constant 0 : index
    %swap3A_175 = arith.constant 0 : index
    %swap3A_176 = vector.load %arg21[%swap3A_173, %swap3A_174, %swap3A_175] : memref<4x208x64xf32, #tpu.memory_space<vmem>>, vector<1x208x64xf32>
    %swap3A_177 = vector.shape_cast %swap3A_176 : vector<1x208x64xf32> to vector<208x64xf32>
    %swap3A_178 = vector.shape_cast %dot_general3A_155 : vector<208x64xf32> to vector<1x208x64xf32>
    tpu.vector_store %arg21[%swap3A_173, %swap3A_174, %swap3A_175], %swap3A_178 {strides = array<i32>} : memref<4x208x64xf32, #tpu.memory_space<vmem>>, vector<1x208x64xf32>,
    %slice3A_179 = vector.extract_strided_slice %dot_general3A_122 {offsets = [0, 199], sizes = [1, 1], strides = [1, 1]} : vector<1x200xf32> to vector<1x1xf32>
    %squeeze3A_180 = vector.extract %slice3A_179[0, 0] : f32 from vector<1x1xf32>
    %slice3A_181 = vector.extract_strided_slice %shift_right_arithmetic3A_11 {offsets = [0, 400], sizes = [1, 200], strides = [1, 1]} : vector<1x800xi32> to vector<1x200xi32>
    %get3A_182 = arith.constant 0 : index
    %get3A_183 = arith.constant 0 : index
    %get3A_184 = arith.constant 399 : index
    %get3A_185 = memref.load %arg3[%get3A_182, %get3A_183, %get3A_184] : memref<1x1x800xi32, #tpu.memory_space<smem>>
    %shift_right_arithmetic3A_186 = arith.constant 3 : i32
    %shift_right_arithmetic3A_187 = arith.shrsi %get3A_185, %shift_right_arithmetic3A_186 : i32
    %eq3A_188 = arith.constant 0 : i32
    %eq3A_189 = vector.broadcast %eq3A_188 : i32 to vector<1x200xi32>
    %eq3A_190 = arith.cmpi eq, %iota3A, %eq3A_189 : vector<1x200xi32>
    %roll3A_191 = arith.constant 1 : i32
    %roll3A_192 = tpu.dynamic_rotate %slice3A_181 by %roll3A_191 dim 1 : vector<1x200xi32>, i32 -> vector<1x200xi32>
    %broadcast_in_dim3A_193 = vector.broadcast %shift_right_arithmetic3A_187 : i32 to vector<1x200xi32>
    %select_n3A_194 = arith.select %eq3A_190, %broadcast_in_dim3A_193, %roll3A_192 : vector<1x200xi1>, vector<1x200xi32>
    %ne3A_195 = arith.cmpi ne, %slice3A_181, %select_n3A_194 : vector<1x200xi32>
    %convert_element_type3A_196 = arith.extui %ne3A_195 : vector<1x200xi1> to vector<1x200xi32>
    %convert_element_type3A_197 = arith.sitofp %convert_element_type3A_196 : vector<1x200xi32> to vector<1x200xf32>
    %dot_general3A_198 = arith.constant dense<0.000000e+00> : vector<1x200xf32>
    %dot_general3A_199 = tpu.matmul %convert_element_type3A_197, %get3A_16, %dot_general3A_198 {dimension_numbers = #tpu.dot_dimension_numbers<[1], [0], [0], [1], [0, 0, 1, 1], [], []>, transpose_lhs_hint = false} : vector<1x200xf32>, vector<200x200xf32>, vector<1x200xf32> -> vector<1x200xf32>
    %dot_general3A_200 = arith.constant dense<0.000000e+00> : vector<1x208xf32>
    %dot_general3A_201 = tpu.matmul %dot_general3A_199, %get3A_22, %dot_general3A_200 {dimension_numbers = #tpu.dot_dimension_numbers<[1], [0], [0], [1], [0, 0, 1, 1], [], []>, transpose_lhs_hint = false} : vector<1x200xf32>, vector<200x208xf32>, vector<1x208xf32> -> vector<1x208xf32>
    %get3A_202 = arith.constant 400 : index
    %get3A_203 = arith.constant 0 : index
    %get3A_204 = vector.load %arg1[%get3A_202, %get3A_203] : memref<800x32xf32, #tpu.memory_space<vmem>>, vector<200x32xf32>
    %convert_element_type3A_205 = arith.truncf %get3A_204 : vector<200x32xf32> to vector<200x32xbf16>
    %get3A_206 = arith.constant 400 : index
    %get3A_207 = arith.constant 0 : index
    %get3A_208 = vector.load %arg4[%get3A_206, %get3A_207] : memref<800x1xbf16, #tpu.memory_space<vmem>>, vector<200x1xbf16>
    %dot_general3A_209 = arith.constant dense<0.000000e+00> : vector<200x256xf32>
    %dot_general3A_210 = tpu.matmul %convert_element_type3A_205, %get3A_25, %dot_general3A_209 {dimension_numbers = #tpu.dot_dimension_numbers<[1], [0], [0], [1], [0, 0, 1, 1], [], []>, transpose_lhs_hint = false} : vector<200x32xbf16>, vector<32x256xbf16>, vector<200x256xf32> -> vector<200x256xf32>
    %dot_general3A_211 = arith.constant dense<0.000000e+00> : vector<200x256xf32>
    %dot_general3A_212 = tpu.matmul %get3A_208, %get3A_31, %dot_general3A_211 {dimension_numbers = #tpu.dot_dimension_numbers<[1], [0], [0], [1], [0, 0, 1, 1], [], []>, transpose_lhs_hint = false} : vector<200x1xbf16>, vector<1x256xbf16>, vector<200x256xf32> -> vector<200x256xf32>
    %convert_element_type3A_213 = arith.extf %get3A_28 : vector<1x256xbf16> to vector<1x256xf32>
    %eq3A_214 = vector.broadcast %convert_element_type3A_213 : vector<1x256xf32> to vector<200x256xf32>
    %eq3A_215 = arith.cmpf oeq, %dot_general3A_212, %eq3A_214 : vector<200x256xf32>
    %jit3A_216 = arith.constant 0.000000e+00 : f32
    %broadcast_in_dim3A_217 = vector.broadcast %jit3A_216 : f32 to vector<200x256xf32>
    %select_n3A_218 = arith.select %eq3A_215, %dot_general3A_210, %broadcast_in_dim3A_217 : vector<200x256xi1>, vector<200x256xf32>
    %convert_element_type3A_219 = arith.truncf %select_n3A_218 : vector<200x256xf32> to vector<200x256xbf16>
    %get3A_220 = arith.constant 0 : index
    %get3A_221 = arith.constant 0 : index
    %get3A_222 = vector.load %arg5[%get3A_220, %get3A_221] : memref<256x64xbf16, #tpu.memory_space<vmem>>, vector<256x64xbf16>
    %dot_general3A_223 = arith.constant dense<0.000000e+00> : vector<200x64xf32>
    %dot_general3A_224 = tpu.matmul %convert_element_type3A_219, %get3A_222, %dot_general3A_223 {dimension_numbers = #tpu.dot_dimension_numbers<[1], [0], [0], [1], [0, 0, 1, 1], [], []>, transpose_lhs_hint = false} : vector<200x256xbf16>, vector<256x64xbf16>, vector<200x64xf32> -> vector<200x64xf32>
    %convert_element_type3A_225 = arith.truncf %dot_general3A_224 : vector<200x64xf32> to vector<200x64xbf16>
    %eq3A_226 = vector.broadcast %dot_general3A_199 : vector<1x200xf32> to vector<208x200xf32>
    %eq3A_227 = arith.cmpf oeq, %get3A_19, %eq3A_226 : vector<208x200xf32>
    %convert_element_type3A_228 = arith.extui %eq3A_227 : vector<208x200xi1> to vector<208x200xi32>
    %convert_element_type3A_229 = arith.sitofp %convert_element_type3A_228 : vector<208x200xi32> to vector<208x200xf32>
    %convert_element_type3A_230 = arith.truncf %convert_element_type3A_229 : vector<208x200xf32> to vector<208x200xbf16>
    %dot_general3A_231 = arith.constant dense<0.000000e+00> : vector<208x64xf32>
    %dot_general3A_232 = tpu.matmul %convert_element_type3A_230, %convert_element_type3A_225, %dot_general3A_231 {dimension_numbers = #tpu.dot_dimension_numbers<[1], [0], [0], [1], [0, 0, 1, 1], [], []>, transpose_lhs_hint = false} : vector<208x200xbf16>, vector<200x64xbf16>, vector<208x64xf32> -> vector<208x64xf32>
    %add3A_233 = arith.constant 0.000000e+00 : f32
    %add3A_234 = vector.broadcast %add3A_233 : f32 to vector<1x208xf32>
    %add3A_235 = arith.addf %dot_general3A_201, %add3A_234 : vector<1x208xf32>
    %lt3A_236 = arith.cmpf olt, %convert_element_type3A_13, %add3A_235 : vector<1x208xf32>
    %convert_element_type3A_237 = arith.extui %lt3A_236 : vector<1x208xi1> to vector<1x208xi32>
    %convert_element_type3A_238 = arith.sitofp %convert_element_type3A_237 : vector<1x208xi32> to vector<1x208xf32>
    %dot_general3A_239 = arith.constant dense<0.000000e+00> : vector<1x64xf32>
    %dot_general3A_240 = tpu.matmul %convert_element_type3A_238, %dot_general3A_232, %dot_general3A_239 {dimension_numbers = #tpu.dot_dimension_numbers<[1], [0], [0], [1], [0, 0, 1, 1], [], []>, transpose_lhs_hint = false} : vector<1x208xf32>, vector<208x64xf32>, vector<1x64xf32> -> vector<1x64xf32>
    %mul3A_241 = arith.mulf %dot_general3A_232, %dot_general3A_232 : vector<208x64xf32>
    %dot_general3A_242 = arith.constant dense<0.000000e+00> : vector<1x64xf32>
    %dot_general3A_243 = tpu.matmul %convert_element_type3A_238, %mul3A_241, %dot_general3A_242 {dimension_numbers = #tpu.dot_dimension_numbers<[1], [0], [0], [1], [0, 0, 1, 1], [], []>, transpose_lhs_hint = false} : vector<1x208xf32>, vector<208x64xf32>, vector<1x64xf32> -> vector<1x64xf32>
    %eq3A_244 = arith.cmpf oeq, %convert_element_type3A_13, %dot_general3A_201 : vector<1x208xf32>
    %convert_element_type3A_245 = arith.extui %eq3A_244 : vector<1x208xi1> to vector<1x208xi32>
    %convert_element_type3A_246 = arith.sitofp %convert_element_type3A_245 : vector<1x208xi32> to vector<1x208xf32>
    %dot_general3A_247 = arith.constant dense<0.000000e+00> : vector<1x64xf32>
    %dot_general3A_248 = tpu.matmul %convert_element_type3A_246, %dot_general3A_232, %dot_general3A_247 {dimension_numbers = #tpu.dot_dimension_numbers<[1], [0], [0], [1], [0, 0, 1, 1], [], []>, transpose_lhs_hint = false} : vector<1x208xf32>, vector<208x64xf32>, vector<1x64xf32> -> vector<1x64xf32>
    %slice3A_249 = vector.extract_strided_slice %dot_general3A_232 {offsets = [0, 0], sizes = [1, 64], strides = [1, 1]} : vector<208x64xf32> to vector<1x64xf32>
    %swap3A_250 = arith.constant 2 : index
    %swap3A_251 = arith.constant 0 : index
    %swap3A_252 = arith.constant 0 : index
    %swap3A_253 = vector.load %arg21[%swap3A_250, %swap3A_251, %swap3A_252] : memref<4x208x64xf32, #tpu.memory_space<vmem>>, vector<1x208x64xf32>
    %swap3A_254 = vector.shape_cast %swap3A_253 : vector<1x208x64xf32> to vector<208x64xf32>
    %swap3A_255 = vector.shape_cast %dot_general3A_232 : vector<208x64xf32> to vector<1x208x64xf32>
    tpu.vector_store %arg21[%swap3A_250, %swap3A_251, %swap3A_252], %swap3A_255 {strides = array<i32>} : memref<4x208x64xf32, #tpu.memory_space<vmem>>, vector<1x208x64xf32>,
    %slice3A_256 = vector.extract_strided_slice %dot_general3A_199 {offsets = [0, 199], sizes = [1, 1], strides = [1, 1]} : vector<1x200xf32> to vector<1x1xf32>
    %squeeze3A_257 = vector.extract %slice3A_256[0, 0] : f32 from vector<1x1xf32>
    %slice3A_258 = vector.extract_strided_slice %shift_right_arithmetic3A_11 {offsets = [0, 600], sizes = [1, 200], strides = [1, 1]} : vector<1x800xi32> to vector<1x200xi32>
    %get3A_259 = arith.constant 0 : index
    %get3A_260 = arith.constant 0 : index
    %get3A_261 = arith.constant 599 : index
    %get3A_262 = memref.load %arg3[%get3A_259, %get3A_260, %get3A_261] : memref<1x1x800xi32, #tpu.memory_space<smem>>
    %shift_right_arithmetic3A_263 = arith.constant 3 : i32
    %shift_right_arithmetic3A_264 = arith.shrsi %get3A_262, %shift_right_arithmetic3A_263 : i32
    %eq3A_265 = arith.constant 0 : i32
    %eq3A_266 = vector.broadcast %eq3A_265 : i32 to vector<1x200xi32>
    %eq3A_267 = arith.cmpi eq, %iota3A, %eq3A_266 : vector<1x200xi32>
    %roll3A_268 = arith.constant 1 : i32
    %roll3A_269 = tpu.dynamic_rotate %slice3A_258 by %roll3A_268 dim 1 : vector<1x200xi32>, i32 -> vector<1x200xi32>
    %broadcast_in_dim3A_270 = vector.broadcast %shift_right_arithmetic3A_264 : i32 to vector<1x200xi32>
    %select_n3A_271 = arith.select %eq3A_267, %broadcast_in_dim3A_270, %roll3A_269 : vector<1x200xi1>, vector<1x200xi32>
    %ne3A_272 = arith.cmpi ne, %slice3A_258, %select_n3A_271 : vector<1x200xi32>
    %convert_element_type3A_273 = arith.extui %ne3A_272 : vector<1x200xi1> to vector<1x200xi32>
    %convert_element_type3A_274 = arith.sitofp %convert_element_type3A_273 : vector<1x200xi32> to vector<1x200xf32>
    %dot_general3A_275 = arith.constant dense<0.000000e+00> : vector<1x200xf32>
    %dot_general3A_276 = tpu.matmul %convert_element_type3A_274, %get3A_16, %dot_general3A_275 {dimension_numbers = #tpu.dot_dimension_numbers<[1], [0], [0], [1], [0, 0, 1, 1], [], []>, transpose_lhs_hint = false} : vector<1x200xf32>, vector<200x200xf32>, vector<1x200xf32> -> vector<1x200xf32>
    %dot_general3A_277 = arith.constant dense<0.000000e+00> : vector<1x208xf32>
    %dot_general3A_278 = tpu.matmul %dot_general3A_276, %get3A_22, %dot_general3A_277 {dimension_numbers = #tpu.dot_dimension_numbers<[1], [0], [0], [1], [0, 0, 1, 1], [], []>, transpose_lhs_hint = false} : vector<1x200xf32>, vector<200x208xf32>, vector<1x208xf32> -> vector<1x208xf32>
    %get3A_279 = arith.constant 600 : index
    %get3A_280 = arith.constant 0 : index
    %get3A_281 = vector.load %arg1[%get3A_279, %get3A_280] : memref<800x32xf32, #tpu.memory_space<vmem>>, vector<200x32xf32>
    %convert_element_type3A_282 = arith.truncf %get3A_281 : vector<200x32xf32> to vector<200x32xbf16>
    %get3A_283 = arith.constant 600 : index
    %get3A_284 = arith.constant 0 : index
    %get3A_285 = vector.load %arg4[%get3A_283, %get3A_284] : memref<800x1xbf16, #tpu.memory_space<vmem>>, vector<200x1xbf16>
    %dot_general3A_286 = arith.constant dense<0.000000e+00> : vector<200x256xf32>
    %dot_general3A_287 = tpu.matmul %convert_element_type3A_282, %get3A_25, %dot_general3A_286 {dimension_numbers = #tpu.dot_dimension_numbers<[1], [0], [0], [1], [0, 0, 1, 1], [], []>, transpose_lhs_hint = false} : vector<200x32xbf16>, vector<32x256xbf16>, vector<200x256xf32> -> vector<200x256xf32>
    %dot_general3A_288 = arith.constant dense<0.000000e+00> : vector<200x256xf32>
    %dot_general3A_289 = tpu.matmul %get3A_285, %get3A_31, %dot_general3A_288 {dimension_numbers = #tpu.dot_dimension_numbers<[1], [0], [0], [1], [0, 0, 1, 1], [], []>, transpose_lhs_hint = false} : vector<200x1xbf16>, vector<1x256xbf16>, vector<200x256xf32> -> vector<200x256xf32>
    %convert_element_type3A_290 = arith.extf %get3A_28 : vector<1x256xbf16> to vector<1x256xf32>
    %eq3A_291 = vector.broadcast %convert_element_type3A_290 : vector<1x256xf32> to vector<200x256xf32>
    %eq3A_292 = arith.cmpf oeq, %dot_general3A_289, %eq3A_291 : vector<200x256xf32>
    %jit3A_293 = arith.constant 0.000000e+00 : f32
    %broadcast_in_dim3A_294 = vector.broadcast %jit3A_293 : f32 to vector<200x256xf32>
    %select_n3A_295 = arith.select %eq3A_292, %dot_general3A_287, %broadcast_in_dim3A_294 : vector<200x256xi1>, vector<200x256xf32>
    %convert_element_type3A_296 = arith.truncf %select_n3A_295 : vector<200x256xf32> to vector<200x256xbf16>
    %get3A_297 = arith.constant 0 : index
    %get3A_298 = arith.constant 0 : index
    %get3A_299 = vector.load %arg5[%get3A_297, %get3A_298] : memref<256x64xbf16, #tpu.memory_space<vmem>>, vector<256x64xbf16>
    %dot_general3A_300 = arith.constant dense<0.000000e+00> : vector<200x64xf32>
    %dot_general3A_301 = tpu.matmul %convert_element_type3A_296, %get3A_299, %dot_general3A_300 {dimension_numbers = #tpu.dot_dimension_numbers<[1], [0], [0], [1], [0, 0, 1, 1], [], []>, transpose_lhs_hint = false} : vector<200x256xbf16>, vector<256x64xbf16>, vector<200x64xf32> -> vector<200x64xf32>
    %convert_element_type3A_302 = arith.truncf %dot_general3A_301 : vector<200x64xf32> to vector<200x64xbf16>
    %eq3A_303 = vector.broadcast %dot_general3A_276 : vector<1x200xf32> to vector<208x200xf32>
    %eq3A_304 = arith.cmpf oeq, %get3A_19, %eq3A_303 : vector<208x200xf32>
    %convert_element_type3A_305 = arith.extui %eq3A_304 : vector<208x200xi1> to vector<208x200xi32>
    %convert_element_type3A_306 = arith.sitofp %convert_element_type3A_305 : vector<208x200xi32> to vector<208x200xf32>
    %convert_element_type3A_307 = arith.truncf %convert_element_type3A_306 : vector<208x200xf32> to vector<208x200xbf16>
    %dot_general3A_308 = arith.constant dense<0.000000e+00> : vector<208x64xf32>
    %dot_general3A_309 = tpu.matmul %convert_element_type3A_307, %convert_element_type3A_302, %dot_general3A_308 {dimension_numbers = #tpu.dot_dimension_numbers<[1], [0], [0], [1], [0, 0, 1, 1], [], []>, transpose_lhs_hint = false} : vector<208x200xbf16>, vector<200x64xbf16>, vector<208x64xf32> -> vector<208x64xf32>
    %eq3A_310 = arith.constant 249 : i32
    %eq3A_311 = arith.cmpi eq, %arg0, %eq3A_310 : i32
    %jit3A_312 = arith.constant 1.000000e+00 : f32
    %jit3A_313 = arith.constant 0.000000e+00 : f32
    %select_n3A_314 = arith.select %eq3A_311, %jit3A_312, %jit3A_313 : f32
    %add3A_315 = vector.broadcast %select_n3A_314 : f32 to vector<1x208xf32>
    %add3A_316 = arith.addf %dot_general3A_278, %add3A_315 : vector<1x208xf32>
    %lt3A_317 = arith.cmpf olt, %convert_element_type3A_13, %add3A_316 : vector<1x208xf32>
    %convert_element_type3A_318 = arith.extui %lt3A_317 : vector<1x208xi1> to vector<1x208xi32>
    %convert_element_type3A_319 = arith.sitofp %convert_element_type3A_318 : vector<1x208xi32> to vector<1x208xf32>
    %dot_general3A_320 = arith.constant dense<0.000000e+00> : vector<1x64xf32>
    %dot_general3A_321 = tpu.matmul %convert_element_type3A_319, %dot_general3A_309, %dot_general3A_320 {dimension_numbers = #tpu.dot_dimension_numbers<[1], [0], [0], [1], [0, 0, 1, 1], [], []>, transpose_lhs_hint = false} : vector<1x208xf32>, vector<208x64xf32>, vector<1x64xf32> -> vector<1x64xf32>
    %mul3A_322 = arith.mulf %dot_general3A_309, %dot_general3A_309 : vector<208x64xf32>
    %dot_general3A_323 = arith.constant dense<0.000000e+00> : vector<1x64xf32>
    %dot_general3A_324 = tpu.matmul %convert_element_type3A_319, %mul3A_322, %dot_general3A_323 {dimension_numbers = #tpu.dot_dimension_numbers<[1], [0], [0], [1], [0, 0, 1, 1], [], []>, transpose_lhs_hint = false} : vector<1x208xf32>, vector<208x64xf32>, vector<1x64xf32> -> vector<1x64xf32>
    %eq3A_325 = arith.cmpf oeq, %convert_element_type3A_13, %dot_general3A_278 : vector<1x208xf32>
    %convert_element_type3A_326 = arith.extui %eq3A_325 : vector<1x208xi1> to vector<1x208xi32>
    %convert_element_type3A_327 = arith.sitofp %convert_element_type3A_326 : vector<1x208xi32> to vector<1x208xf32>
    %dot_general3A_328 = arith.constant dense<0.000000e+00> : vector<1x64xf32>
    %dot_general3A_329 = tpu.matmul %convert_element_type3A_327, %dot_general3A_309, %dot_general3A_328 {dimension_numbers = #tpu.dot_dimension_numbers<[1], [0], [0], [1], [0, 0, 1, 1], [], []>, transpose_lhs_hint = false} : vector<1x208xf32>, vector<208x64xf32>, vector<1x64xf32> -> vector<1x64xf32>
    %slice3A_330 = vector.extract_strided_slice %dot_general3A_309 {offsets = [0, 0], sizes = [1, 64], strides = [1, 1]} : vector<208x64xf32> to vector<1x64xf32>
    %swap3A_331 = arith.constant 3 : index
    %swap3A_332 = arith.constant 0 : index
    %swap3A_333 = arith.constant 0 : index
    %swap3A_334 = vector.load %arg21[%swap3A_331, %swap3A_332, %swap3A_333] : memref<4x208x64xf32, #tpu.memory_space<vmem>>, vector<1x208x64xf32>
    %swap3A_335 = vector.shape_cast %swap3A_334 : vector<1x208x64xf32> to vector<208x64xf32>
    %swap3A_336 = vector.shape_cast %dot_general3A_309 : vector<208x64xf32> to vector<1x208x64xf32>
    tpu.vector_store %arg21[%swap3A_331, %swap3A_332, %swap3A_333], %swap3A_336 {strides = array<i32>} : memref<4x208x64xf32, #tpu.memory_space<vmem>>, vector<1x208x64xf32>,
    %slice3A_337 = vector.extract_strided_slice %dot_general3A_276 {offsets = [0, 199], sizes = [1, 1], strides = [1, 1]} : vector<1x200xf32> to vector<1x1xf32>
    %squeeze3A_338 = vector.extract %slice3A_337[0, 0] : f32 from vector<1x1xf32>
    %add3A_339 = arith.constant 0.000000e+00 : f32
    %add3A_340 = arith.addf %squeeze3A, %add3A_339 : f32
    %gt3A_341 = arith.constant 0.000000e+00 : f32
    %gt3A_342 = arith.cmpf ogt, %add3A_340, %gt3A_341 : f32
    %convert_element_type3A_343 = arith.extui %gt3A_342 : i1 to i32
    %convert_element_type3A_344 = arith.sitofp %convert_element_type3A_343 : i32 to f32
    %eq3A_345 = arith.constant 0.000000e+00 : f32
    %eq3A_346 = arith.cmpf oeq, %squeeze3A, %eq3A_345 : f32
    %convert_element_type3A_347 = arith.extui %eq3A_346 : i1 to i32
    %convert_element_type3A_348 = arith.sitofp %convert_element_type3A_347 : i32 to f32
    %add3A_349 = arith.addf %slice3A_97, %get3A_36 : vector<1x64xf32>
    %swap3A_350 = arith.constant 0 : index
    %swap3A_351 = arith.constant 0 : index
    %swap3A_352 = arith.constant 0 : index
    %swap3A_353 = vector.load %arg21[%swap3A_350, %swap3A_351, %swap3A_352] : memref<4x208x64xf32, #tpu.memory_space<vmem>>, vector<1x1x64xf32>
    %swap3A_354 = vector.shape_cast %swap3A_353 : vector<1x1x64xf32> to vector<1x64xf32>
    %swap3A_355 = vector.shape_cast %add3A_349 : vector<1x64xf32> to vector<1x1x64xf32>
    tpu.vector_store %arg21[%swap3A_350, %swap3A_351, %swap3A_352], %swap3A_355 {strides = array<i32>} : memref<4x208x64xf32, #tpu.memory_space<vmem>>, vector<1x1x64xf32>,
    %add3A_356 = arith.addf %get3A_39, %dot_general3A_89 : vector<1x64xf32>
    %mul3A_357 = vector.broadcast %convert_element_type3A_344 : f32 to vector<1x64xf32>
    %mul3A_358 = arith.mulf %mul3A_357, %get3A_36 : vector<1x64xf32>
    %add3A_359 = arith.addf %add3A_356, %mul3A_358 : vector<1x64xf32>
    %add3A_360 = arith.addf %get3A_42, %dot_general3A_91 : vector<1x64xf32>
    %mul3A_361 = arith.constant 2.000000e+00 : f32
    %mul3A_362 = vector.broadcast %mul3A_361 : f32 to vector<1x64xf32>
    %mul3A_363 = arith.mulf %mul3A_362, %slice3A_97 : vector<1x64xf32>
    %mul3A_364 = arith.mulf %mul3A_363, %get3A_36 : vector<1x64xf32>
    %mul3A_365 = arith.mulf %get3A_36, %get3A_36 : vector<1x64xf32>
    %add3A_366 = arith.addf %mul3A_364, %mul3A_365 : vector<1x64xf32>
    %mul3A_367 = vector.broadcast %convert_element_type3A_344 : f32 to vector<1x64xf32>
    %mul3A_368 = arith.mulf %mul3A_367, %add3A_366 : vector<1x64xf32>
    %add3A_369 = arith.addf %add3A_360, %mul3A_368 : vector<1x64xf32>
    %mul3A_370 = vector.broadcast %convert_element_type3A_348 : f32 to vector<1x64xf32>
    %mul3A_371 = arith.mulf %mul3A_370, %get3A_36 : vector<1x64xf32>
    %add3A_372 = arith.addf %dot_general3A_96, %mul3A_371 : vector<1x64xf32>
    %dma_start3A = arith.constant 0 : i32
    %dma_start3A_373 = arith.constant 0 : i32
    %dma_start3A_374 = tpu.memref_slice %arg26[%dma_start3A_373] : memref<4x!tpu.dma_semaphore, #tpu.memory_space<semaphore_mem>> -> memref<1x!tpu.dma_semaphore, #tpu.memory_space<semaphore_mem>>
    %dma_start3A_375 = tpu.memref_squeeze %dma_start3A_374 : memref<1x!tpu.dma_semaphore, #tpu.memory_space<semaphore_mem>> -> memref<!tpu.dma_semaphore, #tpu.memory_space<semaphore_mem>>
    %dma_start3A_376 = arith.constant 0 : i32
    %dma_start3A_377 = tpu.memref_slice %arg17[%get3A_33, %dma_start3A_376] : memref<200208x64xf32, #tpu.memory_space<any>> -> memref<208x64xf32, #tpu.memory_space<any>>
    %dma_start3A_378 = arith.constant 0 : i32
    %dma_start3A_379 = arith.constant 0 : i32
    %dma_start3A_380 = tpu.memref_slice %arg21[%dma_start3A, %dma_start3A_378, %dma_start3A_379] : memref<4x208x64xf32, #tpu.memory_space<vmem>> -> memref<1x208x64xf32, #tpu.memory_space<vmem>>
    %dma_start3A_381 = tpu.memref_squeeze %dma_start3A_380 : memref<1x208x64xf32, #tpu.memory_space<vmem>> -> memref<208x64xf32, #tpu.memory_space<vmem>>
    tpu.enqueue_dma source(%dma_start3A_381 : memref<208x64xf32, #tpu.memory_space<vmem>>) target(%dma_start3A_377 : memref<208x64xf32, #tpu.memory_space<any>>) target_semaphore(%dma_start3A_375 : memref<!tpu.dma_semaphore, #tpu.memory_space<semaphore_mem>>)
    %convert_element_type3A_382 = arith.fptosi %squeeze3A : f32 to i32
    %add3A_383 = arith.addi %get3A_33, %convert_element_type3A_382 : i32
    %add3A_384 = arith.constant 0.000000e+00 : f32
    %add3A_385 = arith.addf %squeeze3A_180, %add3A_384 : f32
    %gt3A_386 = arith.constant 0.000000e+00 : f32
    %gt3A_387 = arith.cmpf ogt, %add3A_385, %gt3A_386 : f32
    %convert_element_type3A_388 = arith.extui %gt3A_387 : i1 to i32
    %convert_element_type3A_389 = arith.sitofp %convert_element_type3A_388 : i32 to f32
    %eq3A_390 = arith.constant 0.000000e+00 : f32
    %eq3A_391 = arith.cmpf oeq, %squeeze3A_180, %eq3A_390 : f32
    %convert_element_type3A_392 = arith.extui %eq3A_391 : i1 to i32
    %convert_element_type3A_393 = arith.sitofp %convert_element_type3A_392 : i32 to f32
    %add3A_394 = arith.addf %slice3A_172, %add3A_372 : vector<1x64xf32>
    %swap3A_395 = arith.constant 1 : index
    %swap3A_396 = arith.constant 0 : index
    %swap3A_397 = arith.constant 0 : index
    %swap3A_398 = vector.load %arg21[%swap3A_395, %swap3A_396, %swap3A_397] : memref<4x208x64xf32, #tpu.memory_space<vmem>>, vector<1x1x64xf32>
    %swap3A_399 = vector.shape_cast %swap3A_398 : vector<1x1x64xf32> to vector<1x64xf32>
    %swap3A_400 = vector.shape_cast %add3A_394 : vector<1x64xf32> to vector<1x1x64xf32>
    tpu.vector_store %arg21[%swap3A_395, %swap3A_396, %swap3A_397], %swap3A_400 {strides = array<i32>} : memref<4x208x64xf32, #tpu.memory_space<vmem>>, vector<1x1x64xf32>,
    %add3A_401 = arith.addf %add3A_359, %dot_general3A_163 : vector<1x64xf32>
    %mul3A_402 = vector.broadcast %convert_element_type3A_389 : f32 to vector<1x64xf32>
    %mul3A_403 = arith.mulf %mul3A_402, %add3A_372 : vector<1x64xf32>
    %add3A_404 = arith.addf %add3A_401, %mul3A_403 : vector<1x64xf32>
    %add3A_405 = arith.addf %add3A_369, %dot_general3A_166 : vector<1x64xf32>
    %mul3A_406 = arith.constant 2.000000e+00 : f32
    %mul3A_407 = vector.broadcast %mul3A_406 : f32 to vector<1x64xf32>
    %mul3A_408 = arith.mulf %mul3A_407, %slice3A_172 : vector<1x64xf32>
    %mul3A_409 = arith.mulf %mul3A_408, %add3A_372 : vector<1x64xf32>
    %mul3A_410 = arith.mulf %add3A_372, %add3A_372 : vector<1x64xf32>
    %add3A_411 = arith.addf %mul3A_409, %mul3A_410 : vector<1x64xf32>
    %mul3A_412 = vector.broadcast %convert_element_type3A_389 : f32 to vector<1x64xf32>
    %mul3A_413 = arith.mulf %mul3A_412, %add3A_411 : vector<1x64xf32>
    %add3A_414 = arith.addf %add3A_405, %mul3A_413 : vector<1x64xf32>
    %mul3A_415 = vector.broadcast %convert_element_type3A_393 : f32 to vector<1x64xf32>
    %mul3A_416 = arith.mulf %mul3A_415, %add3A_372 : vector<1x64xf32>
    %add3A_417 = arith.addf %dot_general3A_171, %mul3A_416 : vector<1x64xf32>
    %dma_start3A_418 = arith.constant 1 : i32
    %dma_start3A_419 = arith.constant 1 : i32
    %dma_start3A_420 = tpu.memref_slice %arg26[%dma_start3A_419] : memref<4x!tpu.dma_semaphore, #tpu.memory_space<semaphore_mem>> -> memref<1x!tpu.dma_semaphore, #tpu.memory_space<semaphore_mem>>
    %dma_start3A_421 = tpu.memref_squeeze %dma_start3A_420 : memref<1x!tpu.dma_semaphore, #tpu.memory_space<semaphore_mem>> -> memref<!tpu.dma_semaphore, #tpu.memory_space<semaphore_mem>>
    %dma_start3A_422 = arith.constant 0 : i32
    %dma_start3A_423 = tpu.memref_slice %arg17[%add3A_383, %dma_start3A_422] : memref<200208x64xf32, #tpu.memory_space<any>> -> memref<208x64xf32, #tpu.memory_space<any>>
    %dma_start3A_424 = arith.constant 0 : i32
    %dma_start3A_425 = arith.constant 0 : i32
    %dma_start3A_426 = tpu.memref_slice %arg21[%dma_start3A_418, %dma_start3A_424, %dma_start3A_425] : memref<4x208x64xf32, #tpu.memory_space<vmem>> -> memref<1x208x64xf32, #tpu.memory_space<vmem>>
    %dma_start3A_427 = tpu.memref_squeeze %dma_start3A_426 : memref<1x208x64xf32, #tpu.memory_space<vmem>> -> memref<208x64xf32, #tpu.memory_space<vmem>>
    tpu.enqueue_dma source(%dma_start3A_427 : memref<208x64xf32, #tpu.memory_space<vmem>>) target(%dma_start3A_423 : memref<208x64xf32, #tpu.memory_space<any>>) target_semaphore(%dma_start3A_421 : memref<!tpu.dma_semaphore, #tpu.memory_space<semaphore_mem>>)
    %convert_element_type3A_428 = arith.fptosi %squeeze3A_180 : f32 to i32
    %add3A_429 = arith.addi %add3A_383, %convert_element_type3A_428 : i32
    %add3A_430 = arith.constant 0.000000e+00 : f32
    %add3A_431 = arith.addf %squeeze3A_257, %add3A_430 : f32
    %gt3A_432 = arith.constant 0.000000e+00 : f32
    %gt3A_433 = arith.cmpf ogt, %add3A_431, %gt3A_432 : f32
    %convert_element_type3A_434 = arith.extui %gt3A_433 : i1 to i32
    %convert_element_type3A_435 = arith.sitofp %convert_element_type3A_434 : i32 to f32
    %eq3A_436 = arith.constant 0.000000e+00 : f32
    %eq3A_437 = arith.cmpf oeq, %squeeze3A_257, %eq3A_436 : f32
    %convert_element_type3A_438 = arith.extui %eq3A_437 : i1 to i32
    %convert_element_type3A_439 = arith.sitofp %convert_element_type3A_438 : i32 to f32
    %add3A_440 = arith.addf %slice3A_249, %add3A_417 : vector<1x64xf32>
    %swap3A_441 = arith.constant 2 : index
    %swap3A_442 = arith.constant 0 : index
    %swap3A_443 = arith.constant 0 : index
    %swap3A_444 = vector.load %arg21[%swap3A_441, %swap3A_442, %swap3A_443] : memref<4x208x64xf32, #tpu.memory_space<vmem>>, vector<1x1x64xf32>
    %swap3A_445 = vector.shape_cast %swap3A_444 : vector<1x1x64xf32> to vector<1x64xf32>
    %swap3A_446 = vector.shape_cast %add3A_440 : vector<1x64xf32> to vector<1x1x64xf32>
    tpu.vector_store %arg21[%swap3A_441, %swap3A_442, %swap3A_443], %swap3A_446 {strides = array<i32>} : memref<4x208x64xf32, #tpu.memory_space<vmem>>, vector<1x1x64xf32>,
    %add3A_447 = arith.addf %add3A_404, %dot_general3A_240 : vector<1x64xf32>
    %mul3A_448 = vector.broadcast %convert_element_type3A_435 : f32 to vector<1x64xf32>
    %mul3A_449 = arith.mulf %mul3A_448, %add3A_417 : vector<1x64xf32>
    %add3A_450 = arith.addf %add3A_447, %mul3A_449 : vector<1x64xf32>
    %add3A_451 = arith.addf %add3A_414, %dot_general3A_243 : vector<1x64xf32>
    %mul3A_452 = arith.constant 2.000000e+00 : f32
    %mul3A_453 = vector.broadcast %mul3A_452 : f32 to vector<1x64xf32>
    %mul3A_454 = arith.mulf %mul3A_453, %slice3A_249 : vector<1x64xf32>
    %mul3A_455 = arith.mulf %mul3A_454, %add3A_417 : vector<1x64xf32>
    %mul3A_456 = arith.mulf %add3A_417, %add3A_417 : vector<1x64xf32>
    %add3A_457 = arith.addf %mul3A_455, %mul3A_456 : vector<1x64xf32>
    %mul3A_458 = vector.broadcast %convert_element_type3A_435 : f32 to vector<1x64xf32>
    %mul3A_459 = arith.mulf %mul3A_458, %add3A_457 : vector<1x64xf32>
    %add3A_460 = arith.addf %add3A_451, %mul3A_459 : vector<1x64xf32>
    %mul3A_461 = vector.broadcast %convert_element_type3A_439 : f32 to vector<1x64xf32>
    %mul3A_462 = arith.mulf %mul3A_461, %add3A_417 : vector<1x64xf32>
    %add3A_463 = arith.addf %dot_general3A_248, %mul3A_462 : vector<1x64xf32>
    %dma_start3A_464 = arith.constant 2 : i32
    %dma_start3A_465 = arith.constant 2 : i32
    %dma_start3A_466 = tpu.memref_slice %arg26[%dma_start3A_465] : memref<4x!tpu.dma_semaphore, #tpu.memory_space<semaphore_mem>> -> memref<1x!tpu.dma_semaphore, #tpu.memory_space<semaphore_mem>>
    %dma_start3A_467 = tpu.memref_squeeze %dma_start3A_466 : memref<1x!tpu.dma_semaphore, #tpu.memory_space<semaphore_mem>> -> memref<!tpu.dma_semaphore, #tpu.memory_space<semaphore_mem>>
    %dma_start3A_468 = arith.constant 0 : i32
    %dma_start3A_469 = tpu.memref_slice %arg17[%add3A_429, %dma_start3A_468] : memref<200208x64xf32, #tpu.memory_space<any>> -> memref<208x64xf32, #tpu.memory_space<any>>
    %dma_start3A_470 = arith.constant 0 : i32
    %dma_start3A_471 = arith.constant 0 : i32
    %dma_start3A_472 = tpu.memref_slice %arg21[%dma_start3A_464, %dma_start3A_470, %dma_start3A_471] : memref<4x208x64xf32, #tpu.memory_space<vmem>> -> memref<1x208x64xf32, #tpu.memory_space<vmem>>
    %dma_start3A_473 = tpu.memref_squeeze %dma_start3A_472 : memref<1x208x64xf32, #tpu.memory_space<vmem>> -> memref<208x64xf32, #tpu.memory_space<vmem>>
    tpu.enqueue_dma source(%dma_start3A_473 : memref<208x64xf32, #tpu.memory_space<vmem>>) target(%dma_start3A_469 : memref<208x64xf32, #tpu.memory_space<any>>) target_semaphore(%dma_start3A_467 : memref<!tpu.dma_semaphore, #tpu.memory_space<semaphore_mem>>)
    %convert_element_type3A_474 = arith.fptosi %squeeze3A_257 : f32 to i32
    %add3A_475 = arith.addi %add3A_429, %convert_element_type3A_474 : i32
    %add3A_476 = arith.addf %squeeze3A_338, %select_n3A_314 : f32
    %gt3A_477 = arith.constant 0.000000e+00 : f32
    %gt3A_478 = arith.cmpf ogt, %add3A_476, %gt3A_477 : f32
    %convert_element_type3A_479 = arith.extui %gt3A_478 : i1 to i32
    %convert_element_type3A_480 = arith.sitofp %convert_element_type3A_479 : i32 to f32
    %eq3A_481 = arith.constant 0.000000e+00 : f32
    %eq3A_482 = arith.cmpf oeq, %squeeze3A_338, %eq3A_481 : f32
    %convert_element_type3A_483 = arith.extui %eq3A_482 : i1 to i32
    %convert_element_type3A_484 = arith.sitofp %convert_element_type3A_483 : i32 to f32
    %add3A_485 = arith.addf %slice3A_330, %add3A_463 : vector<1x64xf32>
    %swap3A_486 = arith.constant 3 : index
    %swap3A_487 = arith.constant 0 : index
    %swap3A_488 = arith.constant 0 : index
    %swap3A_489 = vector.load %arg21[%swap3A_486, %swap3A_487, %swap3A_488] : memref<4x208x64xf32, #tpu.memory_space<vmem>>, vector<1x1x64xf32>
    %swap3A_490 = vector.shape_cast %swap3A_489 : vector<1x1x64xf32> to vector<1x64xf32>
    %swap3A_491 = vector.shape_cast %add3A_485 : vector<1x64xf32> to vector<1x1x64xf32>
    tpu.vector_store %arg21[%swap3A_486, %swap3A_487, %swap3A_488], %swap3A_491 {strides = array<i32>} : memref<4x208x64xf32, #tpu.memory_space<vmem>>, vector<1x1x64xf32>,
    %add3A_492 = arith.addf %add3A_450, %dot_general3A_321 : vector<1x64xf32>
    %mul3A_493 = vector.broadcast %convert_element_type3A_480 : f32 to vector<1x64xf32>
    %mul3A_494 = arith.mulf %mul3A_493, %add3A_463 : vector<1x64xf32>
    %add3A_495 = arith.addf %add3A_492, %mul3A_494 : vector<1x64xf32>
    %add3A_496 = arith.addf %add3A_460, %dot_general3A_324 : vector<1x64xf32>
    %mul3A_497 = arith.constant 2.000000e+00 : f32
    %mul3A_498 = vector.broadcast %mul3A_497 : f32 to vector<1x64xf32>
    %mul3A_499 = arith.mulf %mul3A_498, %slice3A_330 : vector<1x64xf32>
    %mul3A_500 = arith.mulf %mul3A_499, %add3A_463 : vector<1x64xf32>
    %mul3A_501 = arith.mulf %add3A_463, %add3A_463 : vector<1x64xf32>
    %add3A_502 = arith.addf %mul3A_500, %mul3A_501 : vector<1x64xf32>
    %mul3A_503 = vector.broadcast %convert_element_type3A_480 : f32 to vector<1x64xf32>
    %mul3A_504 = arith.mulf %mul3A_503, %add3A_502 : vector<1x64xf32>
    %add3A_505 = arith.addf %add3A_496, %mul3A_504 : vector<1x64xf32>
    %mul3A_506 = vector.broadcast %convert_element_type3A_484 : f32 to vector<1x64xf32>
    %mul3A_507 = arith.mulf %mul3A_506, %add3A_463 : vector<1x64xf32>
    %add3A_508 = arith.addf %dot_general3A_329, %mul3A_507 : vector<1x64xf32>
    %dma_start3A_509 = arith.constant 3 : i32
    %dma_start3A_510 = arith.constant 3 : i32
    %dma_start3A_511 = tpu.memref_slice %arg26[%dma_start3A_510] : memref<4x!tpu.dma_semaphore, #tpu.memory_space<semaphore_mem>> -> memref<1x!tpu.dma_semaphore, #tpu.memory_space<semaphore_mem>>
    %dma_start3A_512 = tpu.memref_squeeze %dma_start3A_511 : memref<1x!tpu.dma_semaphore, #tpu.memory_space<semaphore_mem>> -> memref<!tpu.dma_semaphore, #tpu.memory_space<semaphore_mem>>
    %dma_start3A_513 = arith.constant 0 : i32
    %dma_start3A_514 = tpu.memref_slice %arg17[%add3A_475, %dma_start3A_513] : memref<200208x64xf32, #tpu.memory_space<any>> -> memref<208x64xf32, #tpu.memory_space<any>>
    %dma_start3A_515 = arith.constant 0 : i32
    %dma_start3A_516 = arith.constant 0 : i32
    %dma_start3A_517 = tpu.memref_slice %arg21[%dma_start3A_509, %dma_start3A_515, %dma_start3A_516] : memref<4x208x64xf32, #tpu.memory_space<vmem>> -> memref<1x208x64xf32, #tpu.memory_space<vmem>>
    %dma_start3A_518 = tpu.memref_squeeze %dma_start3A_517 : memref<1x208x64xf32, #tpu.memory_space<vmem>> -> memref<208x64xf32, #tpu.memory_space<vmem>>
    tpu.enqueue_dma source(%dma_start3A_518 : memref<208x64xf32, #tpu.memory_space<vmem>>) target(%dma_start3A_514 : memref<208x64xf32, #tpu.memory_space<any>>) target_semaphore(%dma_start3A_512 : memref<!tpu.dma_semaphore, #tpu.memory_space<semaphore_mem>>)
    %convert_element_type3A_519 = arith.fptosi %squeeze3A_338 : f32 to i32
    %add3A_520 = arith.addi %add3A_475, %convert_element_type3A_519 : i32
    %get3A_521 = arith.constant 0 : index
    %get3A_522 = arith.constant 0 : index
    %get3A_523 = arith.constant 799 : index
    %get3A_524 = memref.load %arg3[%get3A_521, %get3A_522, %get3A_523] : memref<1x1x800xi32, #tpu.memory_space<smem>>
    %shift_right_arithmetic3A_525 = arith.constant 3 : i32
    %shift_right_arithmetic3A_526 = arith.shrsi %get3A_524, %shift_right_arithmetic3A_525 : i32
    %swap3A_527 = arith.constant 0 : index
    %swap3A_528 = arith.constant 0 : index
    %swap3A_529 = vector.load %arg23[%swap3A_527, %swap3A_528] : memref<1x64xf32, #tpu.memory_space<vmem>>, vector<1x64xf32>
    tpu.vector_store %arg23[%swap3A_527, %swap3A_528], %add3A_495 {strides = array<i32>} : memref<1x64xf32, #tpu.memory_space<vmem>>, vector<1x64xf32>,
    %swap3A_530 = arith.constant 0 : index
    %swap3A_531 = arith.constant 0 : index
    %swap3A_532 = vector.load %arg24[%swap3A_530, %swap3A_531] : memref<1x64xf32, #tpu.memory_space<vmem>>, vector<1x64xf32>
    tpu.vector_store %arg24[%swap3A_530, %swap3A_531], %add3A_505 {strides = array<i32>} : memref<1x64xf32, #tpu.memory_space<vmem>>, vector<1x64xf32>,
    %swap3A_533 = arith.constant 0 : index
    %swap3A_534 = arith.constant 0 : index
    %swap3A_535 = vector.load %arg22[%swap3A_533, %swap3A_534] : memref<1x64xf32, #tpu.memory_space<vmem>>, vector<1x64xf32>
    tpu.vector_store %arg22[%swap3A_533, %swap3A_534], %add3A_508 {strides = array<i32>} : memref<1x64xf32, #tpu.memory_space<vmem>>, vector<1x64xf32>,
    %swap3A_536 = arith.constant 1 : index
    %swap3A_537 = memref.load %arg25[%swap3A_536] : memref<2xi32, #tpu.memory_space<smem>>
    memref.store %add3A_520, %arg25[%swap3A_536] : memref<2xi32, #tpu.memory_space<smem>>
    %swap3A_538 = arith.constant 0 : index
    %swap3A_539 = memref.load %arg25[%swap3A_538] : memref<2xi32, #tpu.memory_space<smem>>
    memref.store %shift_right_arithmetic3A_526, %arg25[%swap3A_538] : memref<2xi32, #tpu.memory_space<smem>>
    %eq3A_540 = arith.constant 249 : i32
    %eq3A_541 = arith.cmpi eq, %arg0, %eq3A_540 : i32
    %convert_element_type3A_542 = arith.extui %eq3A_541 : i1 to i32
    %cond3A_543 = arith.constant 0 : i32
    %cond3A_544 = arith.cmpi ne, %convert_element_type3A_542, %cond3A_543 : i32
    scf.if %cond3A_544 {
      %dma_wait3A = arith.constant 0 : i32
      %dma_wait3A_545 = arith.constant 0 : i32
      %dma_wait3A_546 = tpu.memref_slice %arg26[%dma_wait3A_545] : memref<4x!tpu.dma_semaphore, #tpu.memory_space<semaphore_mem>> -> memref<1x!tpu.dma_semaphore, #tpu.memory_space<semaphore_mem>>
      %dma_wait3A_547 = tpu.memref_squeeze %dma_wait3A_546 : memref<1x!tpu.dma_semaphore, #tpu.memory_space<semaphore_mem>> -> memref<!tpu.dma_semaphore, #tpu.memory_space<semaphore_mem>>
      %dma_wait3A_548 = arith.constant 0 : i32
      %dma_wait3A_549 = arith.constant 0 : i32
      %dma_wait3A_550 = tpu.memref_slice %arg17[%dma_wait3A_548, %dma_wait3A_549] : memref<200208x64xf32, #tpu.memory_space<any>> -> memref<208x64xf32, #tpu.memory_space<any>>
      %dma_wait3A_551 = arith.constant 0 : i32
      %dma_wait3A_552 = arith.constant 0 : i32
      %dma_wait3A_553 = tpu.memref_slice %arg21[%dma_wait3A, %dma_wait3A_551, %dma_wait3A_552] : memref<4x208x64xf32, #tpu.memory_space<vmem>> -> memref<1x208x64xf32, #tpu.memory_space<vmem>>
      %dma_wait3A_554 = tpu.memref_squeeze %dma_wait3A_553 : memref<1x208x64xf32, #tpu.memory_space<vmem>> -> memref<208x64xf32, #tpu.memory_space<vmem>>
      tpu.wait_dma2 semaphore(%dma_wait3A_547 : memref<!tpu.dma_semaphore, #tpu.memory_space<semaphore_mem>>) src(%dma_wait3A_554 : memref<208x64xf32, #tpu.memory_space<vmem>>) dst(%dma_wait3A_550 : memref<208x64xf32, #tpu.memory_space<any>>)
      %dma_wait3A_555 = arith.constant 1 : i32
      %dma_wait3A_556 = arith.constant 1 : i32
      %dma_wait3A_557 = tpu.memref_slice %arg26[%dma_wait3A_556] : memref<4x!tpu.dma_semaphore, #tpu.memory_space<semaphore_mem>> -> memref<1x!tpu.dma_semaphore, #tpu.memory_space<semaphore_mem>>
      %dma_wait3A_558 = tpu.memref_squeeze %dma_wait3A_557 : memref<1x!tpu.dma_semaphore, #tpu.memory_space<semaphore_mem>> -> memref<!tpu.dma_semaphore, #tpu.memory_space<semaphore_mem>>
      %dma_wait3A_559 = arith.constant 0 : i32
      %dma_wait3A_560 = arith.constant 0 : i32
      %dma_wait3A_561 = tpu.memref_slice %arg17[%dma_wait3A_559, %dma_wait3A_560] : memref<200208x64xf32, #tpu.memory_space<any>> -> memref<208x64xf32, #tpu.memory_space<any>>
      %dma_wait3A_562 = arith.constant 0 : i32
      %dma_wait3A_563 = arith.constant 0 : i32
      %dma_wait3A_564 = tpu.memref_slice %arg21[%dma_wait3A_555, %dma_wait3A_562, %dma_wait3A_563] : memref<4x208x64xf32, #tpu.memory_space<vmem>> -> memref<1x208x64xf32, #tpu.memory_space<vmem>>
      %dma_wait3A_565 = tpu.memref_squeeze %dma_wait3A_564 : memref<1x208x64xf32, #tpu.memory_space<vmem>> -> memref<208x64xf32, #tpu.memory_space<vmem>>
      tpu.wait_dma2 semaphore(%dma_wait3A_558 : memref<!tpu.dma_semaphore, #tpu.memory_space<semaphore_mem>>) src(%dma_wait3A_565 : memref<208x64xf32, #tpu.memory_space<vmem>>) dst(%dma_wait3A_561 : memref<208x64xf32, #tpu.memory_space<any>>)
      %dma_wait3A_566 = arith.constant 2 : i32
      %dma_wait3A_567 = arith.constant 2 : i32
      %dma_wait3A_568 = tpu.memref_slice %arg26[%dma_wait3A_567] : memref<4x!tpu.dma_semaphore, #tpu.memory_space<semaphore_mem>> -> memref<1x!tpu.dma_semaphore, #tpu.memory_space<semaphore_mem>>
      %dma_wait3A_569 = tpu.memref_squeeze %dma_wait3A_568 : memref<1x!tpu.dma_semaphore, #tpu.memory_space<semaphore_mem>> -> memref<!tpu.dma_semaphore, #tpu.memory_space<semaphore_mem>>
      %dma_wait3A_570 = arith.constant 0 : i32
      %dma_wait3A_571 = arith.constant 0 : i32
      %dma_wait3A_572 = tpu.memref_slice %arg17[%dma_wait3A_570, %dma_wait3A_571] : memref<200208x64xf32, #tpu.memory_space<any>> -> memref<208x64xf32, #tpu.memory_space<any>>
      %dma_wait3A_573 = arith.constant 0 : i32
      %dma_wait3A_574 = arith.constant 0 : i32
      %dma_wait3A_575 = tpu.memref_slice %arg21[%dma_wait3A_566, %dma_wait3A_573, %dma_wait3A_574] : memref<4x208x64xf32, #tpu.memory_space<vmem>> -> memref<1x208x64xf32, #tpu.memory_space<vmem>>
      %dma_wait3A_576 = tpu.memref_squeeze %dma_wait3A_575 : memref<1x208x64xf32, #tpu.memory_space<vmem>> -> memref<208x64xf32, #tpu.memory_space<vmem>>
      tpu.wait_dma2 semaphore(%dma_wait3A_569 : memref<!tpu.dma_semaphore, #tpu.memory_space<semaphore_mem>>) src(%dma_wait3A_576 : memref<208x64xf32, #tpu.memory_space<vmem>>) dst(%dma_wait3A_572 : memref<208x64xf32, #tpu.memory_space<any>>)
      %dma_wait3A_577 = arith.constant 3 : i32
      %dma_wait3A_578 = arith.constant 3 : i32
      %dma_wait3A_579 = tpu.memref_slice %arg26[%dma_wait3A_578] : memref<4x!tpu.dma_semaphore, #tpu.memory_space<semaphore_mem>> -> memref<1x!tpu.dma_semaphore, #tpu.memory_space<semaphore_mem>>
      %dma_wait3A_580 = tpu.memref_squeeze %dma_wait3A_579 : memref<1x!tpu.dma_semaphore, #tpu.memory_space<semaphore_mem>> -> memref<!tpu.dma_semaphore, #tpu.memory_space<semaphore_mem>>
      %dma_wait3A_581 = arith.constant 0 : i32
      %dma_wait3A_582 = arith.constant 0 : i32
      %dma_wait3A_583 = tpu.memref_slice %arg17[%dma_wait3A_581, %dma_wait3A_582] : memref<200208x64xf32, #tpu.memory_space<any>> -> memref<208x64xf32, #tpu.memory_space<any>>
      %dma_wait3A_584 = arith.constant 0 : i32
      %dma_wait3A_585 = arith.constant 0 : i32
      %dma_wait3A_586 = tpu.memref_slice %arg21[%dma_wait3A_577, %dma_wait3A_584, %dma_wait3A_585] : memref<4x208x64xf32, #tpu.memory_space<vmem>> -> memref<1x208x64xf32, #tpu.memory_space<vmem>>
      %dma_wait3A_587 = tpu.memref_squeeze %dma_wait3A_586 : memref<1x208x64xf32, #tpu.memory_space<vmem>> -> memref<208x64xf32, #tpu.memory_space<vmem>>
      tpu.wait_dma2 semaphore(%dma_wait3A_580 : memref<!tpu.dma_semaphore, #tpu.memory_space<semaphore_mem>>) src(%dma_wait3A_587 : memref<208x64xf32, #tpu.memory_space<vmem>>) dst(%dma_wait3A_583 : memref<208x64xf32, #tpu.memory_space<any>>)
      %add3A_588 = arith.constant 1 : i32
      %add3A_589 = arith.addi %add3A_520, %add3A_588 : i32
      %swap3A_590 = arith.constant 0 : index
      %swap3A_591 = arith.constant 0 : index
      %swap3A_592 = memref.load %arg20[%swap3A_590, %swap3A_591] : memref<1x1xi32, #tpu.memory_space<smem>>
      memref.store %add3A_589, %arg20[%swap3A_590, %swap3A_591] : memref<1x1xi32, #tpu.memory_space<smem>>
      %convert_element_type3A_593 = arith.sitofp %add3A_589 : i32 to f32
      %get3A_594 = arith.constant 0 : index
      %get3A_595 = arith.constant 0 : index
      %get3A_596 = vector.load %arg23[%get3A_594, %get3A_595] : memref<1x64xf32, #tpu.memory_space<vmem>>, vector<1x64xf32>
      %div3A = vector.broadcast %convert_element_type3A_593 : f32 to vector<1x64xf32>
      %div3A_597 = arith.divf %get3A_596, %div3A : vector<1x64xf32>
      %get3A_598 = arith.constant 0 : index
      %get3A_599 = arith.constant 0 : index
      %get3A_600 = vector.load %arg24[%get3A_598, %get3A_599] : memref<1x64xf32, #tpu.memory_space<vmem>>, vector<1x64xf32>
      %div3A_601 = vector.broadcast %convert_element_type3A_593 : f32 to vector<1x64xf32>
      %div3A_602 = arith.divf %get3A_600, %div3A_601 : vector<1x64xf32>
      %mul3A_603 = arith.mulf %div3A_597, %div3A_597 : vector<1x64xf32>
      %sub3A = arith.subf %div3A_602, %mul3A_603 : vector<1x64xf32>
      %max3A = arith.constant 0.000000e+00 : f32
      %max3A_604 = vector.broadcast %max3A : f32 to vector<1x64xf32>
      %max3A_605 = arith.maximumf %sub3A, %max3A_604 : vector<1x64xf32>
      %add3A_606 = arith.constant 9.99999974E-6 : f32
      %add3A_607 = vector.broadcast %add3A_606 : f32 to vector<1x64xf32>
      %add3A_608 = arith.addf %max3A_605, %add3A_607 : vector<1x64xf32>
      %rsqrt3A = math.rsqrt %add3A_608 : vector<1x64xf32>
      %get3A_609 = arith.constant 0 : index
      %get3A_610 = arith.constant 0 : index
      %get3A_611 = vector.load %arg8[%get3A_609, %get3A_610] : memref<1x256xf32, #tpu.memory_space<vmem>>, vector<1x256xf32>
      %get3A_612 = arith.constant 0 : index
      %get3A_613 = arith.constant 0 : index
      %get3A_614 = vector.load %arg9[%get3A_612, %get3A_613] : memref<256x128xf32, #tpu.memory_space<vmem>>, vector<256x128xf32>
      %dot_general3A_615 = arith.constant dense<0.000000e+00> : vector<1x128xf32>
      %dot_general3A_616 = tpu.matmul %get3A_611, %get3A_614, %dot_general3A_615 {dimension_numbers = #tpu.dot_dimension_numbers<[1], [0], [0], [1], [0, 0, 1, 1], [], []>, transpose_lhs_hint = false} : vector<1x256xf32>, vector<256x128xf32>, vector<1x128xf32> -> vector<1x128xf32>
      %get3A_617 = arith.constant 0 : index
      %get3A_618 = arith.constant 0 : index
      %get3A_619 = vector.load %arg10[%get3A_617, %get3A_618] : memref<1x128xf32, #tpu.memory_space<vmem>>, vector<1x128xf32>
      %add3A_620 = arith.addf %dot_general3A_616, %get3A_619 : vector<1x128xf32>
      %slice3A_621 = vector.extract_strided_slice %add3A_620 {offsets = [0, 0], sizes = [1, 64], strides = [1, 1]} : vector<1x128xf32> to vector<1x64xf32>
      %slice3A_622 = vector.extract_strided_slice %add3A_620 {offsets = [0, 64], sizes = [1, 64], strides = [1, 1]} : vector<1x128xf32> to vector<1x64xf32>
      %get3A_623 = arith.constant 0 : index
      %get3A_624 = arith.constant 0 : index
      %get3A_625 = vector.load %arg6[%get3A_623, %get3A_624] : memref<1x64xf32, #tpu.memory_space<vmem>>, vector<1x64xf32>
      %mul3A_626 = arith.mulf %rsqrt3A, %get3A_625 : vector<1x64xf32>
      %add3A_627 = arith.constant 1.000000e+00 : f32
      %add3A_628 = vector.broadcast %add3A_627 : f32 to vector<1x64xf32>
      %add3A_629 = arith.addf %add3A_628, %slice3A_622 : vector<1x64xf32>
      %mul3A_630 = arith.mulf %mul3A_626, %add3A_629 : vector<1x64xf32>
      %swap3A_631 = arith.constant 0 : index
      %swap3A_632 = arith.constant 0 : index
      %swap3A_633 = vector.load %arg18[%swap3A_631, %swap3A_632] : memref<1x64xf32, #tpu.memory_space<vmem>>, vector<1x64xf32>
      tpu.vector_store %arg18[%swap3A_631, %swap3A_632], %mul3A_630 {strides = array<i32>} : memref<1x64xf32, #tpu.memory_space<vmem>>, vector<1x64xf32>,
      %get3A_634 = arith.constant 0 : index
      %get3A_635 = arith.constant 0 : index
      %get3A_636 = vector.load %arg7[%get3A_634, %get3A_635] : memref<1x64xf32, #tpu.memory_space<vmem>>, vector<1x64xf32>
      %mul3A_637 = arith.mulf %div3A_597, %rsqrt3A : vector<1x64xf32>
      %get3A_638 = arith.constant 0 : index
      %get3A_639 = arith.constant 0 : index
      %get3A_640 = vector.load %arg6[%get3A_638, %get3A_639] : memref<1x64xf32, #tpu.memory_space<vmem>>, vector<1x64xf32>
      %mul3A_641 = arith.mulf %mul3A_637, %get3A_640 : vector<1x64xf32>
      %sub3A_642 = arith.subf %get3A_636, %mul3A_641 : vector<1x64xf32>
      %add3A_643 = arith.constant 1.000000e+00 : f32
      %add3A_644 = vector.broadcast %add3A_643 : f32 to vector<1x64xf32>
      %add3A_645 = arith.addf %add3A_644, %slice3A_622 : vector<1x64xf32>
      %mul3A_646 = arith.mulf %sub3A_642, %add3A_645 : vector<1x64xf32>
      %add3A_647 = arith.addf %mul3A_646, %slice3A_621 : vector<1x64xf32>
      %swap3A_648 = arith.constant 0 : index
      %swap3A_649 = arith.constant 0 : index
      %swap3A_650 = vector.load %arg19[%swap3A_648, %swap3A_649] : memref<1x64xf32, #tpu.memory_space<vmem>>, vector<1x64xf32>
      tpu.vector_store %arg19[%swap3A_648, %swap3A_649], %add3A_647 {strides = array<i32>} : memref<1x64xf32, #tpu.memory_space<vmem>>, vector<1x64xf32>,
    } else {
    }
    return
  }
  func.func @transform_0(%arg0: i32) -> (i32, i32) {
    %c0_i32 = arith.constant 0 : i32
    %c0_i32_0 = arith.constant 0 : i32
    return %arg0, %c0_i32 : i32, i32
  }
  func.func @transform_1(%arg0: i32) -> (i32, i32, i32) {
    %c0_i32 = arith.constant 0 : i32
    %c0_i32_0 = arith.constant 0 : i32
    %c0_i32_1 = arith.constant 0 : i32
    return %arg0, %c0_i32, %c0_i32_0 : i32, i32, i32
  }
  func.func @transform_2(%arg0: i32) -> (i32, i32, i32) {
    %c0_i32 = arith.constant 0 : i32
    %c0_i32_0 = arith.constant 0 : i32
    %c0_i32_1 = arith.constant 0 : i32
    return %arg0, %c0_i32, %c0_i32_0 : i32, i32, i32
  }
  func.func @transform_3(%arg0: i32) -> (i32, i32) {
    %c0_i32 = arith.constant 0 : i32
    %c0_i32_0 = arith.constant 0 : i32
    return %arg0, %c0_i32 : i32, i32
  }
  func.func @transform_4(%arg0: i32) -> (i32, i32) {
    %c0_i32 = arith.constant 0 : i32
    %c0_i32_0 = arith.constant 0 : i32
    %c0_i32_1 = arith.constant 0 : i32
    return %c0_i32, %c0_i32_0 : i32, i32
  }
  func.func @transform_5(%arg0: i32) -> (i32, i32) {
    %c0_i32 = arith.constant 0 : i32
    %c0_i32_0 = arith.constant 0 : i32
    %c0_i32_1 = arith.constant 0 : i32
    return %c0_i32, %c0_i32_0 : i32, i32
  }
  func.func @transform_6(%arg0: i32) -> (i32, i32) {
    %c0_i32 = arith.constant 0 : i32
    %c0_i32_0 = arith.constant 0 : i32
    %c0_i32_1 = arith.constant 0 : i32
    return %c0_i32, %c0_i32_0 : i32, i32
  }
  func.func @transform_7(%arg0: i32) -> (i32, i32) {
    %c0_i32 = arith.constant 0 : i32
    %c0_i32_0 = arith.constant 0 : i32
    %c0_i32_1 = arith.constant 0 : i32
    return %c0_i32, %c0_i32_0 : i32, i32
  }
  func.func @transform_8(%arg0: i32) -> (i32, i32) {
    %c0_i32 = arith.constant 0 : i32
    %c0_i32_0 = arith.constant 0 : i32
    %c0_i32_1 = arith.constant 0 : i32
    return %c0_i32, %c0_i32_0 : i32, i32
  }
  func.func @transform_9(%arg0: i32) -> (i32, i32) {
    %c0_i32 = arith.constant 0 : i32
    %c0_i32_0 = arith.constant 0 : i32
    %c0_i32_1 = arith.constant 0 : i32
    return %c0_i32, %c0_i32_0 : i32, i32
  }
  func.func @transform_10(%arg0: i32) -> (i32, i32) {
    %c0_i32 = arith.constant 0 : i32
    %c0_i32_0 = arith.constant 0 : i32
    %c0_i32_1 = arith.constant 0 : i32
    return %c0_i32, %c0_i32_0 : i32, i32
  }
  func.func @transform_11(%arg0: i32) -> (i32, i32) {
    %c0_i32 = arith.constant 0 : i32
    %c0_i32_0 = arith.constant 0 : i32
    %c0_i32_1 = arith.constant 0 : i32
    return %c0_i32, %c0_i32_0 : i32, i32
  }
  func.func @transform_12(%arg0: i32) -> (i32, i32) {
    %c0_i32 = arith.constant 0 : i32
    %c0_i32_0 = arith.constant 0 : i32
    %c0_i32_1 = arith.constant 0 : i32
    return %c0_i32, %c0_i32_0 : i32, i32
  }
  func.func @transform_13(%arg0: i32) -> (i32, i32) {
    %c0_i32 = arith.constant 0 : i32
    %c0_i32_0 = arith.constant 0 : i32
    %c0_i32_1 = arith.constant 0 : i32
    return %c0_i32, %c0_i32_0 : i32, i32
  }
  func.func @transform_14(%arg0: i32) -> (i32, i32) {
    %c0_i32 = arith.constant 0 : i32
    %c0_i32_0 = arith.constant 0 : i32
    %c0_i32_1 = arith.constant 0 : i32
    return %c0_i32, %c0_i32_0 : i32, i32
  }
  func.func @transform_15(%arg0: i32) -> (i32, i32) {
    %c0_i32 = arith.constant 0 : i32
    %c0_i32_0 = arith.constant 0 : i32
    %c0_i32_1 = arith.constant 0 : i32
    return %c0_i32, %c0_i32_0 : i32, i32
  }
  func.func @transform_17(%arg0: i32) -> (i32, i32) {
    %c0_i32 = arith.constant 0 : i32
    %c0_i32_0 = arith.constant 0 : i32
    %c0_i32_1 = arith.constant 0 : i32
    return %c0_i32, %c0_i32_0 : i32, i32
  }
  func.func @transform_18(%arg0: i32) -> (i32, i32) {
    %c0_i32 = arith.constant 0 : i32
    %c0_i32_0 = arith.constant 0 : i32
    %c0_i32_1 = arith.constant 0 : i32
    return %c0_i32, %c0_i32_0 : i32, i32
  }
  func.func @transform_19(%arg0: i32) -> (i32, i32) {
    %c0_i32 = arith.constant 0 : i32
    %c0_i32_0 = arith.constant 0 : i32
    %c0_i32_1 = arith.constant 0 : i32
    return %c0_i32, %c0_i32_0 : i32, i32
  }
}

module attributes {stable_mosaic.version = 14 : i64} {
  func.func @_norm_body(%arg0: i32, %arg1: memref<4000x64xf32, #tpu.memory_space<vmem>>, %arg2: memref<1x64xf32, #tpu.memory_space<vmem>>, %arg3: memref<1x64xf32, #tpu.memory_space<vmem>>, %arg4: memref<1x1xi32, #tpu.memory_space<smem>>, %arg5: memref<4000x64xf32, #tpu.memory_space<vmem>>) attributes {dimension_semantics = [#tpu.dimension_semantics<arbitrary>], iteration_bounds = array<i64: 50>, scalar_prefetch = 0 : i64, scratch_operands = 0 : i64, tpu.core_type = #tpu.core_type<tc>, window_params = [{transform_indices = @transform_0, window_bounds = array<i64: 4000, 64>}, {pipeline_mode = #tpu.pipeline_mode<synchronous>, transform_indices = @transform_1, window_bounds = array<i64: 1, 64>}, {pipeline_mode = #tpu.pipeline_mode<synchronous>, transform_indices = @transform_2, window_bounds = array<i64: 1, 64>}, {transform_indices = @transform_3, window_bounds = array<i64: 1, 1>}, {transform_indices = @transform_4, window_bounds = array<i64: 4000, 64>}]} {
    %get3A = arith.constant 0 : index
    %get3A_0 = arith.constant 0 : index
    %get3A_1 = memref.load %arg4[%get3A, %get3A_0] : memref<1x1xi32, #tpu.memory_space<smem>>
    %get3A_2 = arith.constant 0 : index
    %get3A_3 = arith.constant 0 : index
    %get3A_4 = vector.load %arg1[%get3A_2, %get3A_3] : memref<4000x64xf32, #tpu.memory_space<vmem>>, vector<4000x64xf32>
    %get3A_5 = arith.constant 0 : index
    %get3A_6 = arith.constant 0 : index
    %get3A_7 = vector.load %arg2[%get3A_5, %get3A_6] : memref<1x64xf32, #tpu.memory_space<vmem>>, vector<1x64xf32>
    %mul3A = vector.broadcast %get3A_7 : vector<1x64xf32> to vector<4000x64xf32>
    %mul3A_8 = arith.mulf %get3A_4, %mul3A : vector<4000x64xf32>
    %get3A_9 = arith.constant 0 : index
    %get3A_10 = arith.constant 0 : index
    %get3A_11 = vector.load %arg3[%get3A_9, %get3A_10] : memref<1x64xf32, #tpu.memory_space<vmem>>, vector<1x64xf32>
    %add3A = vector.broadcast %get3A_11 : vector<1x64xf32> to vector<4000x64xf32>
    %add3A_12 = arith.addf %mul3A_8, %add3A : vector<4000x64xf32>
    %iota3A = tpu.iota {dimensions = array<i32: 0>} : vector<4000x1xi32>
    %mul3A_13 = arith.constant 4000 : i32
    %mul3A_14 = arith.muli %arg0, %mul3A_13 : i32
    %add3A_15 = vector.broadcast %mul3A_14 : i32 to vector<4000x1xi32>
    %add3A_16 = arith.addi %iota3A, %add3A_15 : vector<4000x1xi32>
    %lt3A = vector.broadcast %get3A_1 : i32 to vector<4000x1xi32>
    %lt3A_17 = arith.cmpi slt, %add3A_16, %lt3A : vector<4000x1xi32>
    %max3A = arith.constant 0.000000e+00 : f32
    %max3A_18 = vector.broadcast %max3A : f32 to vector<4000x64xf32>
    %max3A_19 = arith.maximumf %add3A_12, %max3A_18 : vector<4000x64xf32>
    %jit3A = arith.constant 0.000000e+00 : f32
    %broadcast_in_dim3A = vector.shape_cast %lt3A_17 : vector<4000x1xi1> to vector<4000x1xi1>
    %broadcast_in_dim3A_20 = vector.broadcast %broadcast_in_dim3A : vector<4000x1xi1> to vector<4000x64xi1>
    %broadcast_in_dim3A_21 = vector.broadcast %jit3A : f32 to vector<4000x64xf32>
    %select_n3A = arith.select %broadcast_in_dim3A_20, %max3A_19, %broadcast_in_dim3A_21 : vector<4000x64xi1>, vector<4000x64xf32>
    %swap3A = arith.constant 0 : index
    %swap3A_22 = arith.constant 0 : index
    %swap3A_23 = vector.load %arg5[%swap3A, %swap3A_22] : memref<4000x64xf32, #tpu.memory_space<vmem>>, vector<4000x64xf32>
    tpu.vector_store %arg5[%swap3A, %swap3A_22], %select_n3A {strides = array<i32>} : memref<4000x64xf32, #tpu.memory_space<vmem>>, vector<4000x64xf32>,
    return
  }
  func.func @transform_0(%arg0: i32) -> (i32, i32) {
    %c0_i32 = arith.constant 0 : i32
    %c0_i32_0 = arith.constant 0 : i32
    return %arg0, %c0_i32 : i32, i32
  }
  func.func @transform_1(%arg0: i32) -> (i32, i32) {
    %c0_i32 = arith.constant 0 : i32
    %c0_i32_0 = arith.constant 0 : i32
    %c0_i32_1 = arith.constant 0 : i32
    return %c0_i32, %c0_i32_0 : i32, i32
  }
  func.func @transform_2(%arg0: i32) -> (i32, i32) {
    %c0_i32 = arith.constant 0 : i32
    %c0_i32_0 = arith.constant 0 : i32
    %c0_i32_1 = arith.constant 0 : i32
    return %c0_i32, %c0_i32_0 : i32, i32
  }
  func.func @transform_3(%arg0: i32) -> (i32, i32) {
    %c0_i32 = arith.constant 0 : i32
    %c0_i32_0 = arith.constant 0 : i32
    %c0_i32_1 = arith.constant 0 : i32
    return %c0_i32, %c0_i32_0 : i32, i32
  }
  func.func @transform_4(%arg0: i32) -> (i32, i32) {
    %c0_i32 = arith.constant 0 : i32
    %c0_i32_0 = arith.constant 0 : i32
    return %arg0, %c0_i32 : i32, i32
  }
}

</mosaic_0001>

<sc_bundles>
// kernel: kernel.5.cloned.1.call-start
scs
__scs_entry_jumppad:
0x0: {  	(pc) =	sbr.rel $0x88, $3  }
0x1: {  	(tag) =	ssettag $0x0;
	lr =	simm.s32 $0x1  }
0x2: {  	[smem:$0x3F99] =	sst lr;
	_ =	strace $0xD0000000  }
0x3: {  	_ = 	snop  }
0x4: {  	_ = 	snop  }
0x5: {  	_ = 	snop  }
0x6: {  	_ = 	snop  }
0x7: {  	_ = 	snop  }
__scs_overlays_trampoline_lowered:
0x8: {  	[smem:$0x3FA8] =	sst s0  }
0x9: {  	[smem:$0x3FA9] =	sst s1  }
0xa: {  	[smem:$0x3FAA] =	sst s2  }
0xb: {  	[smem:$0x3FAB] =	sst s3  }
0xc: {  	[smem:$0x3FAC] =	sst s4  }
0xd: {  	[smem:$0x3FAD] =	sst s5  }
0xe: {  	[smem:$0x3FAE] =	sst s6  }
0xf: {  	[smem:$0x3FAF] =	sst s7  }
0x10: {  	[smem:$0x3FB0] =	sst s8  }
0x11: {  	[smem:$0x3FB1] =	sst s9;
	s0 =	simm.s32 @!p0 $0x0  }
0x12: {  	s1 =	sld [smem:$0x3F97];
	s0 =	simm.s32 @p0 $0x1  }
0x13: {  	[smem:$0x3FB2] =	sst s0;
	s0 =	simm.s32 @!p1 $0x0  }
0x14: {  	s2 =	sld [smem:$0x3F96];
	s0 =	simm.s32 @p1 $0x1  }
0x15: {  	[smem:$0x3FB3] =	sst s0;
	s0 =	simm.s32 @!p2 $0x0  }
0x16: {  	s3 =	sld [smem:$0x3FDB];
	s0 =	simm.s32 @p2 $0x1  }
0x17: {  	s4 =	simm.s32 $0x1BF5;
	[smem:$0x3FB5] =	sst s0  }
0x18: {  	s0 =	sld [smem:$0x3F98];
	_ =	swait.ge [sflag:s4], $0x0  }
0x19: {  	s7 =	sld [smem:$0x3F99]  }
0x1a: {  	s8 =	sadd.s32 $0xFFFFE003, lr  }
0x1b: {  	s9 =	sadd.s32 $0xFFFFFEF7, lr;
	s5 =	simm.s32 $0xFFFFFFFF;
	p2 =	slt.u32 s8, $0xFFFFF086  }
0x1c: {  	p1 =	slt.u32 s9, $0xF7A;
	s5 =	simm.s32 @!p2 $0x0  }
0x1d: {  	s5 =	simm.s32 @p1 $0x1;
	p0 =	seq.s32 s7, s2  }
0x1e: {  	s7 =	smul.u32 @!p0 $0xF7A, s2;
	p2 =	seq.s32 @!p0 s5, $0x0  }
0x1f: {  	s9 =	smul.u32 $0xF7A, s1;
	s8 =	simm.s32 @!p0 $0x1BF5;
	p2 =	por !p2, p0  }
0x20: {  	[sflag:s8] =	ssyncset.s32 @!p0 $0xFFFFF086;
	s6 =	sadd.s32 @!p0 s3, s7;
	s7 =	simm.s32 @!p0 $0x108  }
0x21: {  	s3 =	sadd.s32 s3, s9;
	s6 =	sadd.s32 @!p0 $0x88, s6;
	s7 =	simm.s32 @p2 $0x1082  }
0x22: {  	[simem:s7], [sflag:s8] =	dma.local @!p0 [hbm:s6], $0xF7A  }
0x23: {  	s9 =	sor.u32 $0xD0000000, s2;
	s6 =	simm.s32 $0x108;
	_ =	swait.ge @!p0 [sflag:s8], $0x0  }
0x24: {  	s3 =	sadd.s32 $0x88, s3;
	s6 =	simm.s32 @!p1 $0x1082;
	[sflag:s4] =	ssyncset.s32 $0xFFFFF086  }
0x25: {  	[simem:s6], [sflag:s4] =	dma.local [hbm:s3], $0xF7A  }
0x26: {  	[smem:$0x3F99] =	sst s1;
	(tag) =	ssettag s2;
	_ =	strace s9  }
0x27: {  	s1 =	sld [smem:$0x3FA9]  }
0x28: {  	s2 =	sld [smem:$0x3FAA]  }
0x29: {  	s4 =	sld [smem:$0x3FAC]  }
0x2a: {  	p0 =	seq.s32 s5, $0x0;
	s5 =	sld [smem:$0x3FAD]  }
0x2b: {  	s6 =	sld [smem:$0x3FAE]  }
0x2c: {  	s7 =	sld [smem:$0x3FAF]  }
0x2d: {  	s3 =	simm.s32 $0x108;
	s8 =	sld [smem:$0x3FB0]  }
0x2e: {  	s3 =	simm.s32 @!p0 $0x1082;
	s9 =	sld [smem:$0x3FB1]  }
0x2f: {  	lr =	sadd.s32 s0, s3;
	s0 =	sld [smem:$0x3FA8]  }
0x30: {  	s3 =	sld [smem:$0x3FAB]  }
0x31: {  	[smem:$0x3FB4] =	sst s10  }
0x32: {  	s10 =	sld [smem:$0x3FB2];
	_ =	sdelay $0x3  }
0x33: {  	p0 =	seq.s32 s10, $0x1;
	s10 =	sld [smem:$0x3FB4];
	_ =	sdelay $0x3  }
0x34: {  	[smem:$0x3FB4] =	sst s10  }
0x35: {  	s10 =	sld [smem:$0x3FB3];
	_ =	sdelay $0x3  }
0x36: {  	p1 =	seq.s32 s10, $0x1;
	s10 =	sld [smem:$0x3FB4];
	_ =	sdelay $0x3  }
0x37: {  	[smem:$0x3FB4] =	sst s10  }
0x38: {  	s10 =	sld [smem:$0x3FB5]  }
0x39: {  	_ = 	snop;
	(pc) =	sbr.ind lr, $3  }
0x3a: {  	_ = 	snop  }
0x3b: {  	_ = 	snop  }
0x3c: {  	p2 =	seq.s32 s10, $0x1;
	s10 =	sld [smem:$0x3FB4]  }
0x3d: {  	_ =	shalt  }
0x3e: {  	_ =	shalt  }
0x3f: {  	_ =	shalt  }
0x40: {  	_ =	shalt  }
0x41: {  	_ =	shalt  }
0x42: {  	_ =	shalt  }
0x43: {  	_ =	shalt  }
0x44: {  	_ =	shalt  }
0x45: {  	_ =	shalt  }
0x46: {  	_ =	shalt  }
0x47: {  	_ =	shalt  }
0x48: {  	_ =	shalt  }
0x49: {  	_ =	shalt  }
0x4a: {  	_ =	shalt  }
0x4b: {  	_ =	shalt  }
0x4c: {  	_ =	shalt  }
0x4d: {  	_ =	shalt  }
0x4e: {  	_ =	shalt  }
0x4f: {  	_ =	shalt  }
0x50: {  	_ =	shalt  }
0x51: {  	_ =	shalt  }
0x52: {  	_ =	shalt  }
0x53: {  	_ =	shalt  }
0x54: {  	_ =	shalt  }
0x55: {  	_ =	shalt  }
0x56: {  	_ =	shalt  }
0x57: {  	_ =	shalt  }
0x58: {  	_ =	shalt  }
0x59: {  	_ =	shalt  }
0x5a: {  	_ =	shalt  }
0x5b: {  	_ =	shalt  }
0x5c: {  	_ =	shalt  }
0x5d: {  	_ =	shalt  }
0x5e: {  	_ =	shalt  }
0x5f: {  	_ =	shalt  }
0x60: {  	_ =	shalt  }
0x61: {  	_ =	shalt  }
0x62: {  	_ =	shalt  }
0x63: {  	_ =	shalt  }
0x64: {  	_ =	shalt  }
0x65: {  	_ =	shalt  }
0x66: {  	_ =	shalt  }
0x67: {  	_ =	shalt  }
0x68: {  	_ =	shalt  }
0x69: {  	_ =	shalt  }
0x6a: {  	_ =	shalt  }
0x6b: {  	_ =	shalt  }
0x6c: {  	_ =	shalt  }
0x6d: {  	_ =	shalt  }
0x6e: {  	_ =	shalt  }
0x6f: {  	_ =	shalt  }
0x70: {  	_ =	shalt  }
0x71: {  	_ =	shalt  }
0x72: {  	_ =	shalt  }
0x73: {  	_ =	shalt  }
0x74: {  	_ =	shalt  }
0x75: {  	_ =	shalt  }
0x76: {  	_ =	shalt  }
0x77: {  	_ =	shalt  }
0x78: {  	_ =	shalt  }
0x79: {  	_ =	shalt  }
0x7a: {  	_ =	shalt  }
0x7b: {  	_ =	shalt  }
0x7c: {  	_ =	shalt  }
0x7d: {  	_ =	shalt  }
0x7e: {  	_ =	shalt  }
0x7f: {  	_ =	shalt  }
0x80: {  	_ =	shalt  }
0x81: {  	_ =	shalt  }
0x82: {  	_ =	shalt  }
0x83: {  	_ =	shalt  }
0x84: {  	_ =	shalt  }
0x85: {  	_ =	shalt  }
0x86: {  	_ =	shalt  }
0x87: {  	_ =	shalt  }
.Lfunc_end0:
.L_simem_size_0:
called_computation_lowered:
.L_overlay_start_0:
0x88: {  	s2 =	sld [smem:$0x3FD9]  }
0x89: {  	s3 =	sld [smem:$0x3FFE];
	_ =	sdelay $0x1  }
0x8a: {  	s1 =	srdreg.scid  }
0x8b: {  	s0 =	sand.u32 $0x1, s1  }
0x8c: {  	s16 =	sshll.u32 s0, $0xA;
	s2 =	sadd.s32 s3, s2  }
0x8d: {  	s2 =	sadd.s32 s2, s16  }
0x8e: {  	[smem:$0x3FC0] =	sst s2  }
0x8f: {  	_ = 	snop  }
0x90: {  	(tm) =	ssettm $0x1  }
0x91: {  	s17 =	sld [smem:$0x3FFB];
	_ =	sdelay $0x3  }
0x92: {  	_ =	strace s17  }
0x93: {  	s2 =	sld [smem:$0x3FFC];
	_ =	sdelay $0x3  }
0x94: {  	_ =	strace s2  }
0x95: {  	s2 =	sld [smem:$0x3FFD];
	_ =	sdelay $0x3  }
0x96: {  	_ =	strace s2  }
0x97: {  	_ =	strace $0x8FFFFFFF  }
0x98: {  	s18 =	sld [smem:$0x3FDB];
	_ =	sdelay $0x1  }
0x99: {  	s19 =	simm.s32 $_scs_section_size  }
0x9a: {  	s4 =	simm.s32 $_size__tile_overlayer_lowered;
	s5 =	simm.s32 $_tile_overlayer_lowered  }
0x9b: {  	s22 =	simm.s32 $0x1BFF;
	s21 =	sshll.u32 s5, $0x1;
	s2 =	sadd.s32 s19, s18  }
0x9c: {  	s6 =	simm.s32 $0x0;
	s20 =	sshll.u32 s4, $0x1;
	s4 =	sadd.s32 s21, s2  }
0x9d: {  	[timem:s6], [sflag:s22] =	dma.local [hbm:s4], s20  }
0x9e: {  	_ =	swait.ge [sflag:s22], s20  }
0x9f: {  	s3 =	ssub.s32 $0x0, s20;
	[sflag:s22] =	ssyncset.done $0x0  }
0xa0: {  	[sflag:s22] =	ssyncadd.s32 s3;
	_ =	sdelay $0x1  }
0xa1: {  	s23 =	simm.s32 $0x1B8B  }
0xa2: {  	_ =	swait.ge [sflag:s23], $0x1  }
0xa3: {  	[sflag:s23] =	ssyncset.done $0x0  }
0xa4: {  	s25 =	simm.s32 $0x1B8E;
	s24 =	sld [smem:$0x3FFE];
	[sflag:s23] =	ssyncadd.s32 $0xFFFFFFFF  }
0xa5: {  	s26 =	simm.s32 $execute0_lowered;
	[smem:$0x3FD2] =	sst s25  }
0xa6: {  	s4 =	sshll.u32 s26, $0x1;
	_ =	strace $0x80000046;
	[dreg:$0x1] =	wrdreg $0xFFFFFFFF  }
0xa7: {  	s28 =	simm.s32 $_size_execute0_lowered;
	s2 =	sadd.s32 s2, s4;
	[dreg:$0x0] =	wrdreg $0x0  }
0xa8: {  	s4 =	sshll.u32 s28, $0x1;
	[dreg:$0x2] =	wrdreg s2  }
0xa9: {  	[dreg:$0x3] =	wrdreg s4  }
0xaa: {  	[dreg:$0x4] =	wrdreg $0xC0  }
0xab: {  	_ =	task [dreg:s6], $0x5FFFF  }
0xac: {  	[dreg:$0x1] =	wrdreg $0xFFFFFFFF  }
0xad: {  	[dreg:$0x0] =	wrdreg $0x60  }
0xae: {  	[dreg:$0x2] =	wrdreg s24  }
0xaf: {  	[dreg:$0x3] =	wrdreg $0x9  }
0xb0: {  	_ =	task.clear_ibuf [dreg:s6], $0x4FFFF;
	_ =	strace $0x90000046  }
0xb1: {  	s29 =	simm.s32 $0x9;
	_ =	strace $0x80000048  }
0xb2: {  	_ =	swait.ge [sflag:s29], $0x1  }
0xb3: {  	[sflag:s29] =	ssyncadd.s32 $0xFFFFFFFF  }
0xb4: {  	_ =	strace $0x90000048  }
0xb5: {  	_ =	sfence  }
0xb6: {  	s30 =	sld [smem:$0x0];
	_ =	sdelay $0x2  }
0xb7: {  	s31 =	sshll.u32 s1, $0xD;
	s1 =	sshrl.u32 s1, $0x2  }
0xb8: {  	s3 =	sand.u32 $0x4000, s31;
	s1 =	sadd.s32 s1, s30  }
0xb9: {  	s0 =	sor.u32 s3, s0;
	s1 =	sshll.u32 s1, $0x11  }
0xba: {  	s0 =	sor.u32 s1, s0  }
0xbb: {  	s0 =	sadd.s32 $0x8F2B, s0  }
0xbc: {  	[sflag:s0] =	ssyncadd.remote.s32 $0x1  }
0xbd: {  	_ =	sfence.sel $0xFFFF  }
0xbe: {  	[dreg:$0x0] =	wrdreg $0xFFFFFFFF;
	(pc) =	sbr.abs _section_cstart, $3  }
0xbf: {  	[dreg:$0x1] =	wrdreg $0xFFFFFFFF  }
0xc0: {  	_ =	task.clear_ibuf [dreg:s6], $0x2FFFF;
	_ =	strace $0x9FFFFFFF  }
0xc1: {  	(tm) =	ssettm $0x7FFFFFFF  }
tec
execute0_lowered:
.L_overlay_start_1:
0x0: {  	(tag) =	ssettag $0x1  }
0x1: {  	s6 =	rddreg [dreg:$0x0]  }
0x2: {  	s0 =	rddreg [dreg:$0x1];
	s1 =	stileid.u32  }
0x3: {  	s2 =	simm.s32 $0x0;
	s3 =	srdreg.scid;
	s4 =	smul.u32 $0xC400, s1  }
0x4: {  	[smem:$0x7FF] =	sst s2;
	s5 =	sand.u32 $0x1, s3;
	s7 =	smul.u32 $0x3100, s1  }
0x5: {  	s3 =	sadd.s32 $0x30D400, s6;
	s8 =	ssub.s32 $0x2, s5;
	s9 =	smul.u32 $0x1880, s5  }
0x6: {  	_ =	strace $0x80000047;
	s5 =	smul.u32 $0x6200, s5;
	s10 =	sshrl.u32 s8, $0x1  }
0x7: {  	s11 =	sadd.s32 s4, s6;
	s31 =	ssub.s32 s8, s10;
	s7 =	sadd.s32 s9, s7  }
0x8: {  	s5 =	sadd.s32 s5, s11;
	s8 =	simm.s32 $0x80;
	s9 =	simm.s32 $0x1  }
0x9: {  	s10 =	simm.s32 $0x0;
	s4 =	smax.u32 s31, $0x1;
	s7 =	sshrl.u32 s7, $0x3  }
0xa: {  	s5 =	sadd.s32 $0x6200, s5;
	s6 =	sadd.s32 s7, s6;
	s7 =	simm.s32 $0x2  }
.LBB2_1:
0xb: {  	s11 =	sadd.s32 $0x0, s6  }
0xc: {  	[tilespmem:s2], [sflag:$0x2] =	stream.linear.gather [hbm4b:s11+s2], $0x80, $0x38;
	[tilespmem:$0x1080] =	vst v63  }
0xd: {  	_ =	swait.ge [sflag:s7], $0x80  }
0xe: {  	[sflag:s7] =	ssyncset.done $0x0  }
0xf: {  	[sflag:s7] =	ssyncadd.s32 $0xFFFFFF80  }
0x10: {  	[tilespmem:s8], [sflag:$0x1] =	stream.indirect.gather [hbm4b:s3+s8], $0x20, s2, s8, $0xb8;
	[tilespmem:$0x1080] =	vst v63  }
0x11: {  	_ =	swait.ge [sflag:s9], $0x1000  }
0x12: {  	[sflag:s9] =	ssyncset.done $0x0  }
0x13: {  	[sflag:s9] =	ssyncadd.s32 $0xFFFFF000  }
0x14: {  	[hbm4b:s5+s2] =	stream.linear.scatter [tilespmem:s8], [sflag:$0x2], $0x1000, $0x38;
	[tilespmem:$0x1080] =	vst v63  }
0x15: {  	s12 =	simm.s32 $0x10;
	_ =	swait.ge [sflag:s7], $0x1000  }
0x16: {  	s13 =	simm.s32 $0x20;
	s11 =	sadd.s32 $0x200, s5;
	[sflag:s7] =	ssyncset.done $0x0  }
.LBB2_2:
0x17: {  	s14 =	sadd.s32 s12, s6  }
0x18: {  	[sflag:s7] =	ssyncadd.s32 $0xFFFFF000;
	s12 =	smov.u32 s13;
	s15 =	sadd.s32 $0x10, s13  }
0x19: {  	[tilespmem:s2], [sflag:$0x2] =	stream.linear.gather [hbm4b:s14+s2], $0x80, $0x38;
	[tilespmem:$0x1080] =	vst v63  }
0x1a: {  	p0 =	sne.s32 s13, $0x300;
	_ =	swait.ge [sflag:s7], $0x80  }
0x1b: {  	[sflag:s7] =	ssyncset.done $0x0  }
0x1c: {  	[sflag:s7] =	ssyncadd.s32 $0xFFFFFF80  }
0x1d: {  	[tilespmem:s8], [sflag:$0x1] =	stream.indirect.gather [hbm4b:s3+s8], $0x20, s2, s8, $0xb8;
	[tilespmem:$0x1080] =	vst v63  }
0x1e: {  	_ =	swait.ge [sflag:s9], $0x1000  }
.Ltmp0:
0x1f: {  	[sflag:s9] =	ssyncset.done $0x0;
	(pc) =	sbr.rel @p0 .LBB2_2-.Ltmp0, $4  }
0x20: {  	[sflag:s9] =	ssyncadd.s32 $0xFFFFF000  }
0x21: {  	[hbm4b:s11+s2] =	stream.linear.scatter [tilespmem:s8], [sflag:$0x2], $0x1000, $0x38;
	[tilespmem:$0x1080] =	vst v63  }
0x22: {  	_ =	swait.ge [sflag:s7], $0x1000  }
0x23: {  	s13 =	smov.u32 s15;
	s11 =	sadd.s32 $0x200, s11;
	[sflag:s7] =	ssyncset.done $0x0  }
0x24: {  	s12 =	sadd.s32 s12, s6;
	[sflag:s7] =	ssyncadd.s32 $0xFFFFF000  }
0x25: {  	[tilespmem:s2], [sflag:$0x2] =	stream.linear.gather [hbm4b:s12+s2], $0x80, $0x38;
	[tilespmem:$0x1080] =	vst v63  }
0x26: {  	_ =	swait.ge [sflag:s7], $0x80  }
0x27: {  	[sflag:s7] =	ssyncset.done $0x0  }
0x28: {  	[sflag:s7] =	ssyncadd.s32 $0xFFFFFF80  }
0x29: {  	[tilespmem:s8], [sflag:$0x1] =	stream.indirect.gather [hbm4b:s3+s8], $0x20, s2, s8, $0xb8;
	[tilespmem:$0x1080] =	vst v63  }
0x2a: {  	s10 =	sadd.s32 $0x1, s10;
	_ =	swait.ge [sflag:s9], $0x1000  }
0x2b: {  	p0 =	sne.s32 s10, s4;
	[sflag:s9] =	ssyncset.done $0x0  }
.Ltmp1:
0x2c: {  	[sflag:s9] =	ssyncadd.s32 $0xFFFFF000;
	(pc) =	sbr.rel @p0 .LBB2_1-.Ltmp1, $4  }
0x2d: {  	[hbm4b:s11+s2] =	stream.linear.scatter [tilespmem:s8], [sflag:$0x2], $0x1000, $0x38;
	[tilespmem:$0x1080] =	vst v63  }
0x2e: {  	_ =	swait.ge [sflag:s7], $0x1000  }
0x2f: {  	[sflag:s7] =	ssyncset.done $0x0  }
0x30: {  	[sflag:s7] =	ssyncadd.s32 $0xFFFFF000  }
0x31: {  	_ =	sfence.sel $0x180000  }
0x32: {  	[bflag:$0x0] =	sbarrier.arrive $0xFFFF  }
0x33: {  	p0 =	sne.s32 s1, $0x0;
	_ =	strace $0x90000047  }
0x34: {  	s0 =	sadd.s32 @!p0 $0x100000, s0;
	[bflag:$0x2] =	sbarrier.arrive $0xFFFF  }
0x35: {  	[sflag:s0] =	ssyncadd.tile.s32 @!p0 $0x1;
	_ =	shalt  }
.Lfunc_end2:
_tile_overlayer_lowered:
.L_overlay_start_2:
0x36: {  	(tag) =	ssettag $0x2  }
0x37: {  	s0 =	rddreg [dreg:$0x0];
	s2 =	stileid.u32  }
0x38: {  	s1 =	rddreg [dreg:$0x1];
	p0 =	sne.s32 s2, $0x0  }
0x39: {  	s3 =	rddreg [dreg:$0x2];
	[bflag:$0x3] =	sbarrier.arrive $0xFFFF;
	s2 =	simm.s32 @!p0 $0x1C02  }
0x3a: {  	[timem:s3], [sflag:s2] =	dma.local @!p0 [hbm:s0], s1  }
0x3b: {  	s0 =	simm.s32 @!p0 $0x2  }
0x3c: {  	_ =	swait.ge @!p0 [sflag:s0], s1  }
0x3d: {  	s1 =	ssub.s32 @!p0 $0x0, s1;
	[sflag:s0] =	ssyncset.done @!p0 $0x0  }
0x3e: {  	[sflag:s0] =	ssyncadd.s32 @!p0 s1  }
0x3f: {  	[bflag:$0x3] =	sbarrier.arrive $0xFFFF  }
0x40: {  	_ =	shalt  }

</sc_bundles>
